<compile_context>
chip_gen: v7x
topology: tpu7x:2x2x1
jax: 0.10.2.dev20260603
libtpu: 0.0.44.dev20260713+nightly
codegen_flags: <defaults>
</compile_context>

<pallas_src>
import functools

import jax
import jax.numpy as jnp
from jax import lax
from jax.experimental import pallas as pl
from jax.experimental.pallas import tpu as pltpu
from jax.experimental.pallas import tpu_sc as plsc

_N, _D, _E = 8192, 1024, 4
_NC, _NS, _L = 2, 16, 16
_NT = _NC * _NS
_RANGE = 1024
_NR = _N // _RANGE
_NSEG = _E * _NR
_CAP = _RANGE
_ZROW = _NSEG * _CAP
_G = 32
_BLKF = 256
_CTOK = _N // _NT



def _gate_body(x_ref, wgn_ref, thr_ref, mask_ref, noise_ref,
               gt_ref, pt_ref, cnt_ref):
    i = pl.program_id(0)
    x = x_ref[...]
    logits = jnp.dot(x, wgn_ref[...], preferred_element_type=jnp.float32)
    clean = logits[:, :_E]
    raw_noise = logits[:, _E:]
    noise_std = jax.nn.softplus(raw_noise) + 1e-2
    noisy = clean + noise_ref[...] * noise_std
    scores = noisy - thr_ref[...]
    signed = jnp.sign(scores)
    sel = 0.5 * (signed + 1.0) * mask_ref[...]
    masked = jnp.where(sel > 0.0, clean, jnp.full_like(clean, -1e9))
    m = jnp.max(masked, axis=-1, keepdims=True)
    ex = jnp.exp(masked - m)
    gates = (ex / jnp.sum(ex, axis=-1, keepdims=True)) * sel
    denom = jnp.clip(jnp.sum(gates, axis=-1, keepdims=True), 1e-9, None)
    gates = gates / denom
    gt_ref[...] = jnp.transpose(gates)

    seli = jnp.where(sel > 0.0, 1.0, 0.0)
    ri = lax.broadcasted_iota(jnp.int32, (_RANGE, _RANGE), 0)
    ci = lax.broadcasted_iota(jnp.int32, (_RANGE, _RANGE), 1)
    tri = jnp.where(ri >= ci, 1.0, 0.0)
    csum = jnp.dot(tri, seli, precision=lax.Precision.HIGHEST,
                   preferred_element_type=jnp.float32)
    rank = (csum - seli).astype(jnp.int32)
    col = lax.broadcasted_iota(jnp.int32, (_RANGE, _E), 1)
    seg_base = (col * _NR + i) * _CAP
    pos = jnp.where(sel > 0.0, seg_base + rank, _ZROW)
    pt_ref[...] = jnp.transpose(pos)
    cnt_ref[...] = csum[_RANGE - 1:_RANGE, :].astype(jnp.int32).reshape(1, 1, _E)


def _gating(x, wgn, thr, mask, noise):
    return pl.pallas_call(
        _gate_body,
        grid=(_NR,),
        in_specs=[
            pl.BlockSpec((_RANGE, _D), lambda i: (i, 0)),
            pl.BlockSpec((_D, 2 * _E), lambda i: (0, 0)),
            pl.BlockSpec((1, _E), lambda i: (0, 0)),
            pl.BlockSpec((1, _E), lambda i: (0, 0)),
            pl.BlockSpec((_RANGE, _E), lambda i: (i, 0)),
        ],
        out_specs=[
            pl.BlockSpec((_E, _RANGE), lambda i: (0, i)),
            pl.BlockSpec((_E, _RANGE), lambda i: (0, i)),
            pl.BlockSpec((1, 1, _E), lambda i: (i, 0, 0)),
        ],
        out_shape=[
            jax.ShapeDtypeStruct((_E, _N), jnp.float32),
            jax.ShapeDtypeStruct((_E, _N), jnp.int32),
            jax.ShapeDtypeStruct((_NR, 1, _E), jnp.int32),
        ],
    )(x, wgn, thr, mask, noise)



_MESH = plsc.VectorSubcoreMesh(core_axis_name="c", subcore_axis_name="s")


@functools.partial(
    pl.kernel,
    out_type=(
        jax.ShapeDtypeStruct((_NSEG * _CAP, _D), jnp.float32),
        jax.ShapeDtypeStruct((_NSEG * _CAP,), jnp.float32),
    ),
    mesh=_MESH,
    scratch_types=[
        pltpu.VMEM((_RANGE,), jnp.int32),
        pltpu.VMEM((_RANGE,), jnp.float32),
        pltpu.VMEM((_RANGE + 2 * _L,), jnp.int32),
        pltpu.VMEM((_RANGE + 2 * _L,), jnp.float32),
        pltpu.VMEM((_G, _D), jnp.float32),
        pltpu.SemaphoreType.DMA,
    ],
    compiler_params=pltpu.CompilerParams(needs_layout_passes=False),
)
def _sc_compact_gather(pos_hbm, gate_hbm, x_hbm, xg, gc,
                       pos_v, gate_v, idx_v, gc_v, rows_v, sem):
    c = lax.axis_index("c")
    s = lax.axis_index("s")
    e = c * (_E // _NC) + s // _NR
    r = s % _NR
    tok0 = r * _RANGE
    seg = e * _NR + r
    seg0 = seg * _CAP

    pltpu.sync_copy(pos_hbm.at[pl.ds(e * _N + tok0, _RANGE)], pos_v)
    pltpu.sync_copy(gate_hbm.at[pl.ds(e * _N + tok0, _RANGE)], gate_v)

    iota = lax.iota(jnp.int32, _L)
    zrow_v = jnp.full((_L,), _ZROW, jnp.int32)
    seg0_v = jnp.full((_L,), seg0, jnp.int32)
    dump_v = jnp.full((_L,), _RANGE, jnp.int32)

    def cbody(j, cnt_s):
        p = pos_v[pl.ds(j * _L, _L)]
        g = gate_v[pl.ds(j * _L, _L)]
        msk = p < zrow_v
        ids = jnp.full((_L,), tok0 + j * _L, jnp.int32) + iota
        dst = jnp.where(msk, p - seg0_v, dump_v)
        plsc.store_scatter(idx_v, [dst], ids)
        plsc.store_scatter(gc_v, [dst], g)
        pc = plsc.all_reduce_population_count(msk)
        return cnt_s + pc[0]

    cnt_s = lax.fori_loop(0, _RANGE // _L, cbody, 0)

    idx_v[pl.ds(cnt_s, _L)] = jnp.zeros((_L,), jnp.int32)
    idx_v[pl.ds(cnt_s + _L, _L)] = jnp.zeros((_L,), jnp.int32)

    pltpu.sync_copy(gc_v.at[pl.ds(0, _RANGE)], gc.at[pl.ds(seg0, _RANGE)])

    nch = (cnt_s + _G - 1) // _G

    def gbody(i, carry):
        pltpu.async_copy(
            x_hbm.at[idx_v.at[pl.ds(i * _G, _G)]], rows_v, sem).wait()
        pltpu.sync_copy(rows_v, xg.at[pl.ds(seg0 + i * _G, _G)])
        return carry

    lax.fori_loop(0, nch, gbody, 0)



def _ffn_body(cnt_ref, xg_ref, gc_ref, W1_ref, b1_ref, W2_ref, b2_ref, yg_ref):
    t = pl.program_id(0)
    nblk = _CAP // _BLKF

    @pl.when(t == _NSEG * nblk)
    def _zero():
        yg_ref[...] = jnp.zeros_like(yg_ref)

    @pl.when(t < _NSEG * nblk)
    def _compute():
        seg = t // nblk
        j = t % nblk

        @pl.when(j * _BLKF < cnt_ref[seg])
        def _():
            xb = xg_ref[...]
            gcb = gc_ref[...]
            h = jnp.dot(xb, W1_ref[0], preferred_element_type=jnp.float32)
            h = jnp.maximum(h + b1_ref[0], 0.0) * gcb
            y = jnp.dot(h, W2_ref[0], preferred_element_type=jnp.float32)
            yg_ref[...] = y + gcb * b2_ref[0]


def _ffn(cnt, xg, gc2d, W1, b1, W2, b2):
    nblk = _CAP // _BLKF
    return pl.pallas_call(
        _ffn_body,
        grid_spec=pltpu.PrefetchScalarGridSpec(
            num_scalar_prefetch=1,
            grid=(_NSEG * nblk + 1,),
            in_specs=[
                pl.BlockSpec((_BLKF, _D),
                             lambda t, cnt: (jnp.minimum(t, _NSEG * nblk - 1), 0)),
                pl.BlockSpec((_BLKF, 1),
                             lambda t, cnt: (jnp.minimum(t, _NSEG * nblk - 1), 0)),
                pl.BlockSpec((1, _D, _D),
                             lambda t, cnt: (jnp.minimum(t // (_NR * nblk), _E - 1), 0, 0)),
                pl.BlockSpec((1, 1, _D),
                             lambda t, cnt: (jnp.minimum(t // (_NR * nblk), _E - 1), 0, 0)),
                pl.BlockSpec((1, _D, _D),
                             lambda t, cnt: (jnp.minimum(t // (_NR * nblk), _E - 1), 0, 0)),
                pl.BlockSpec((1, 1, _D),
                             lambda t, cnt: (jnp.minimum(t // (_NR * nblk), _E - 1), 0, 0)),
            ],
            out_specs=pl.BlockSpec((_BLKF, _D), lambda t, cnt: (t, 0)),
        ),
        out_shape=jax.ShapeDtypeStruct(((_NSEG * nblk + 1) * _BLKF, _D),
                                       jnp.float32),
        compiler_params=pltpu.CompilerParams(
            dimension_semantics=("arbitrary",),
        ),
    )(cnt, xg, gc2d, W1, b1.reshape(_E, 1, _D), W2, b2.reshape(_E, 1, _D))



@functools.partial(
    pl.kernel,
    out_type=jax.ShapeDtypeStruct((_N, _D), jnp.float32),
    mesh=_MESH,
    scratch_types=[
        pltpu.VMEM((_E * _CTOK,), jnp.int32),
        pltpu.VMEM((_L, _D), jnp.float32),
        pltpu.VMEM((_L, _D), jnp.float32),
        pltpu.VMEM((_L, _D), jnp.float32),
        pltpu.VMEM((_L, _D), jnp.float32),
        pltpu.VMEM((_L, _D), jnp.float32),
        pltpu.SemaphoreType.DMA,
        pltpu.SemaphoreType.DMA,
        pltpu.SemaphoreType.DMA,
        pltpu.SemaphoreType.DMA,
    ],
)
def _sc_combine(pos_hbm, yg_hbm, out_hbm,
                pos_v, buf0, buf1, buf2, buf3, acc, s0, s1, s2, s3):
    c = lax.axis_index("c")
    s = lax.axis_index("s")
    wid = c * _NS + s
    tok0 = wid * _CTOK

    for e in range(_E):
        pltpu.sync_copy(pos_hbm.at[pl.ds(e * _N + tok0, _CTOK)],
                        pos_v.at[pl.ds(e * _CTOK, _CTOK)])

    bufs = (buf0, buf1, buf2, buf3)
    sems = (s0, s1, s2, s3)

    def tbody(t, carry):
        waits = []
        for e in range(_E):
            waits.append(pltpu.async_copy(
                yg_hbm.at[pos_v.at[pl.ds(e * _CTOK + t * _L, _L)]],
                bufs[e], sems[e]))
        for w in waits:
            w.wait()

        def rbody(q):
            row = q // (_D // _L)
            col = (q % (_D // _L)) * _L
            acc[row, pl.ds(col, _L)] = (
                buf0[row, pl.ds(col, _L)] + buf1[row, pl.ds(col, _L)]
                + buf2[row, pl.ds(col, _L)] + buf3[row, pl.ds(col, _L)])

        plsc.parallel_loop(0, _L * (_D // _L), 1, unroll=8)(rbody)
        pltpu.sync_copy(acc, out_hbm.at[pl.ds(tok0 + t * _L, _L)])
        return carry

    lax.fori_loop(0, _CTOK // _L, tbody, 0)



def kernel(x, w_gate, w_noise, gate_threshold, experts_mask, noise, W1, b1, W2, b2):
    wgn = jnp.concatenate([w_gate, w_noise], axis=1)
    thr = gate_threshold.reshape(1, _E)
    mask = experts_mask.reshape(1, _E)

    gates_t, pos_t, cnt_nr = _gating(x, wgn, thr, mask, noise)
    pos = pos_t.reshape(-1)
    cnt = jnp.transpose(cnt_nr.reshape(_NR, _E)).reshape(_NSEG)
    xg, gc = _sc_compact_gather(pos, gates_t.reshape(-1), x)
    yg = _ffn(cnt, xg, gc.reshape(-1, 1), W1, b1, W2, b2)
    out = _sc_combine(pos, yg)
    return out

# --- scband reference (transcript-rebuilt; emitter-appended) ---
"""Pipeline reference for scband-sagmm-network-1623497638182 (READ-ONLY COPY).

The authoritative reference and input builder live on the scoring server;
editing this copy changes nothing except your own understanding.
"""

import jax, jax.numpy as jnp
import numpy as np

N, D, E = 8192, 1024, 4

# Straight-through sign: forward = sign(x), backward = identity (SAGMMGateBackward)
@jax.custom_vjp
def st_sign(s):
    return jnp.sign(s)

def _st_fwd(s):
    return jnp.sign(s), None

def _st_bwd(res, g):
    return (g,)

st_sign.defvjp(_st_fwd, _st_bwd)


def setup_inputs(seed: int = 0) -> dict:
    key = jax.random.key(seed)
    ks = jax.random.split(key, 10)
    x = jax.random.normal(ks[0], (N, D), dtype=jnp.float32)
    # noisy_top_any gate params (initialized zeros in torch; small random here so gating is non-degenerate)
    w_gate = jax.random.normal(ks[1], (D, E), dtype=jnp.float32) * 0.02
    w_noise = jax.random.normal(ks[2], (D, E), dtype=jnp.float32) * 0.02
    gate_threshold = jnp.zeros((E,), dtype=jnp.float32)  # gate_type='zeros'
    experts_mask = jnp.ones((E,), dtype=jnp.float32)
    noise = jax.random.normal(ks[3], (N, E), dtype=jnp.float32)
    # expert parameters: each expert is a 2-layer transform (hidden_channels -> hidden_channels)
    W1 = jax.random.normal(ks[4], (E, D, D), dtype=jnp.float32) * (1.0 / np.sqrt(D))
    b1 = jnp.zeros((E, D), dtype=jnp.float32)
    W2 = jax.random.normal(ks[5], (E, D, D), dtype=jnp.float32) * (1.0 / np.sqrt(D))
    b2 = jnp.zeros((E, D), dtype=jnp.float32)
    return {"x": x, "w_gate": w_gate, "w_noise": w_noise, "gate_threshold": gate_threshold,
            "experts_mask": experts_mask, "noise": noise, "W1": W1, "b1": b1, "W2": W2, "b2": b2}


def reference(x, w_gate, w_noise, gate_threshold, experts_mask, noise, W1, b1, W2, b2):
    # --- noisy_top_any gating ---
    clean_logits = x @ w_gate                                   # [N, E]
    raw_noise = x @ w_noise                                     # [N, E]
    noise_std = jax.nn.softplus(raw_noise) + 1e-2
    noisy_logits = clean_logits + noise * noise_std
    scores = noisy_logits - gate_threshold[None, :]
    signed = st_sign(scores)                                    # straight-through sign
    sel = 0.5 * (signed + 1.0) * experts_mask[None, :]          # {0,1} selection per token/expert
    # soft weights over the selected ('top-any') experts
    masked_logits = jnp.where(sel > 0.0, clean_logits, jnp.full_like(clean_logits, -1e9))
    gates = jax.nn.softmax(masked_logits, axis=-1) * sel
    denom = jnp.clip(gates.sum(axis=-1, keepdims=True), 1e-9, None)
    gates = gates / denom                                        # [N, E]
    # --- dense expert computation (all tokens through all experts) ---
    h = jnp.einsum('nd,edf->enf', x, W1) + b1[:, None, :]
    h = jax.nn.relu(h)
    expert_out = jnp.einsum('enf,efo->eno', h, W2) + b2[:, None, :]  # [E, N, D]
    out = jnp.einsum('ne,end->nd', gates, expert_out)                 # [N, D]
    return out

if __name__ == "__main__":
    import jax
    _d = setup_inputs()
    print(jax.jit(kernel)(*tuple(_d.values())))

</pallas_src>

<mosaic_0001>
#map = affine_map<(d0, d1) -> (0)>
#map1 = affine_map<(d0, d1) -> (0, 0)>
module attributes {stable_mosaic.version = 14 : i64} {
  func.func @_sc_compact_gather(%arg0: i32, %arg1: i32, %arg2: memref<32768xi32, #tpu.memory_space<hbm>>, %arg3: memref<32768xf32, #tpu.memory_space<hbm>>, %arg4: memref<8192x1024xf32, #tpu.memory_space<hbm>>, %arg5: memref<32768x1024xf32, #tpu.memory_space<hbm>>, %arg6: memref<32768xf32, #tpu.memory_space<hbm>>, %arg7: memref<1024xi32, #tpu.memory_space<vmem>>, %arg8: memref<1024xf32, #tpu.memory_space<vmem>>, %arg9: memref<1056xi32, #tpu.memory_space<vmem>>, %arg10: memref<1056xf32, #tpu.memory_space<vmem>>, %arg11: memref<32x1024xf32, #tpu.memory_space<vmem>>, %arg12: memref<!tpu.dma_semaphore, #tpu.memory_space<semaphore_mem>>) attributes {dimension_semantics = [#tpu.dimension_semantics<core_parallel>, #tpu.dimension_semantics<subcore_parallel>], iteration_bounds = array<i64: 2, 16>, scalar_prefetch = 0 : i64, scratch_operands = 6 : i64, tpu.core_type = #tpu.core_type<sc_vector_subcore>, window_params = [{transform_indices = #map}, {transform_indices = #map}, {transform_indices = #map1}, {transform_indices = #map1}, {transform_indices = #map}]} {
    %mul3A = arith.constant 2 : i32
    %mul3A_0 = arith.muli %arg0, %mul3A : i32
    %jit3A = arith.constant 8 : i32
    %div3A = arith.divsi %arg1, %jit3A : i32
    %sign3A = arith.constant 0 : i32
    %sign3A_1 = arith.cmpi sgt, %arg1, %sign3A : i32
    %sign3A_2 = arith.extui %sign3A_1 : i1 to i32
    %sign3A_3 = arith.constant 0 : i32
    %sign3A_4 = arith.cmpi slt, %arg1, %sign3A_3 : i32
    %sign3A_5 = arith.extui %sign3A_4 : i1 to i32
    %sign3A_6 = arith.subi %sign3A_2, %sign3A_5 : i32
    %sign3A_7 = arith.constant 0 : i32
    %sign3A_8 = arith.cmpi sgt, %jit3A, %sign3A_7 : i32
    %sign3A_9 = arith.extui %sign3A_8 : i1 to i32
    %sign3A_10 = arith.constant 0 : i32
    %sign3A_11 = arith.cmpi slt, %jit3A, %sign3A_10 : i32
    %sign3A_12 = arith.extui %sign3A_11 : i1 to i32
    %sign3A_13 = arith.subi %sign3A_9, %sign3A_12 : i32
    %ne3A = arith.cmpi ne, %sign3A_6, %sign3A_13 : i32
    %rem3A = arith.remsi %arg1, %jit3A : i32
    %ne3A_14 = arith.constant 0 : i32
    %ne3A_15 = arith.cmpi ne, %rem3A, %ne3A_14 : i32
    %and3A = arith.andi %ne3A, %ne3A_15 : i1
    %sub3A = arith.constant 1 : i32
    %sub3A_16 = arith.subi %div3A, %sub3A : i32
    %select_n3A = arith.select %and3A, %sub3A_16, %div3A : i32
    %add3A = arith.addi %mul3A_0, %select_n3A : i32
    %jit3A_17 = arith.constant 8 : i32
    %eq3A = arith.constant 0 : i32
    %eq3A_18 = arith.cmpi eq, %jit3A_17, %eq3A : i32
    %jit3A_19 = arith.constant 1 : i32
    %select_n3A_20 = arith.select %eq3A_18, %jit3A_19, %jit3A_17 : i32
    %rem3A_21 = arith.remsi %arg1, %select_n3A_20 : i32
    %ne3A_22 = arith.constant 0 : i32
    %ne3A_23 = arith.cmpi ne, %rem3A_21, %ne3A_22 : i32
    %lt3A = arith.constant 0 : i32
    %lt3A_24 = arith.cmpi slt, %rem3A_21, %lt3A : i32
    %lt3A_25 = arith.constant 0 : i32
    %lt3A_26 = arith.cmpi slt, %select_n3A_20, %lt3A_25 : i32
    %ne3A_27 = arith.xori %lt3A_24, %lt3A_26 : i1
    %and3A_28 = arith.andi %ne3A_27, %ne3A_23 : i1
    %add3A_29 = arith.addi %rem3A_21, %select_n3A_20 : i32
    %select_n3A_30 = arith.select %and3A_28, %add3A_29, %rem3A_21 : i32
    %mul3A_31 = arith.constant 1024 : i32
    %mul3A_32 = arith.muli %select_n3A_30, %mul3A_31 : i32
    %mul3A_33 = arith.constant 8 : i32
    %mul3A_34 = arith.muli %add3A, %mul3A_33 : i32
    %add3A_35 = arith.addi %mul3A_34, %select_n3A_30 : i32
    %mul3A_36 = arith.constant 1024 : i32
    %mul3A_37 = arith.muli %add3A_35, %mul3A_36 : i32
    %mul3A_38 = arith.constant 8192 : i32
    %mul3A_39 = arith.muli %add3A, %mul3A_38 : i32
    %add3A_40 = arith.addi %mul3A_39, %mul3A_32 : i32
    "tpu.region"() ({
      %run_scoped3A = tpu.sem_alloc : memref<!tpu.dma_semaphore, #tpu.memory_space<semaphore_mem>>
      %dma_start3A = tpu.memref_slice %arg2[%add3A_40] : memref<32768xi32, #tpu.memory_space<hbm>> -> memref<1024xi32, #tpu.memory_space<hbm>>
      %dma_start3A_100 = tpu.memref_slice %arg2[%add3A_40] : memref<32768xi32, #tpu.memory_space<hbm>> -> memref<1024xi32, #tpu.memory_space<hbm>>
      tpu.enqueue_dma source(%dma_start3A_100 : memref<1024xi32, #tpu.memory_space<hbm>>) target(%arg7 : memref<1024xi32, #tpu.memory_space<vmem>>) target_semaphore(%run_scoped3A : memref<!tpu.dma_semaphore, #tpu.memory_space<semaphore_mem>>)
      %dma_wait3A = tpu.memref_slice %arg2[%add3A_40] : memref<32768xi32, #tpu.memory_space<hbm>> -> memref<1024xi32, #tpu.memory_space<hbm>>
      %dma_wait3A_101 = tpu.memref_slice %arg2[%add3A_40] : memref<32768xi32, #tpu.memory_space<hbm>> -> memref<1024xi32, #tpu.memory_space<hbm>>
      tpu.wait_dma2 semaphore(%run_scoped3A : memref<!tpu.dma_semaphore, #tpu.memory_space<semaphore_mem>>) src(%dma_wait3A_101 : memref<1024xi32, #tpu.memory_space<hbm>>) dst(%arg7 : memref<1024xi32, #tpu.memory_space<vmem>>)
      tpu.yield
    }) : () -> ()
    %mul3A_41 = arith.constant 8192 : i32
    %mul3A_42 = arith.muli %add3A, %mul3A_41 : i32
    %add3A_43 = arith.addi %mul3A_42, %mul3A_32 : i32
    "tpu.region"() ({
      %run_scoped3A = tpu.sem_alloc : memref<!tpu.dma_semaphore, #tpu.memory_space<semaphore_mem>>
      %dma_start3A = tpu.memref_slice %arg3[%add3A_43] : memref<32768xf32, #tpu.memory_space<hbm>> -> memref<1024xf32, #tpu.memory_space<hbm>>
      %dma_start3A_100 = tpu.memref_slice %arg3[%add3A_43] : memref<32768xf32, #tpu.memory_space<hbm>> -> memref<1024xf32, #tpu.memory_space<hbm>>
      tpu.enqueue_dma source(%dma_start3A_100 : memref<1024xf32, #tpu.memory_space<hbm>>) target(%arg8 : memref<1024xf32, #tpu.memory_space<vmem>>) target_semaphore(%run_scoped3A : memref<!tpu.dma_semaphore, #tpu.memory_space<semaphore_mem>>)
      %dma_wait3A = tpu.memref_slice %arg3[%add3A_43] : memref<32768xf32, #tpu.memory_space<hbm>> -> memref<1024xf32, #tpu.memory_space<hbm>>
      %dma_wait3A_101 = tpu.memref_slice %arg3[%add3A_43] : memref<32768xf32, #tpu.memory_space<hbm>> -> memref<1024xf32, #tpu.memory_space<hbm>>
      tpu.wait_dma2 semaphore(%run_scoped3A : memref<!tpu.dma_semaphore, #tpu.memory_space<semaphore_mem>>) src(%dma_wait3A_101 : memref<1024xf32, #tpu.memory_space<hbm>>) dst(%arg8 : memref<1024xf32, #tpu.memory_space<vmem>>)
      tpu.yield
    }) : () -> ()
    %iota3A = tpu.iota {dimensions = array<i32: 0>} : vector<16xi32>
    %broadcast_in_dim3A = arith.constant 32768 : i32
    %broadcast_in_dim3A_44 = vector.broadcast %broadcast_in_dim3A : i32 to vector<16xi32>
    %broadcast_in_dim3A_45 = vector.broadcast %mul3A_37 : i32 to vector<16xi32>
    %broadcast_in_dim3A_46 = arith.constant 1024 : i32
    %broadcast_in_dim3A_47 = vector.broadcast %broadcast_in_dim3A_46 : i32 to vector<16xi32>
    %scan3A = arith.constant 0 : i32
    %scan3A_48 = arith.constant 0 : i32
    %scan3A_49 = arith.constant 64 : i32
    %scan3A_50 = arith.addi %scan3A_48, %scan3A_49 : i32
    %scan3A_51 = arith.constant 1 : i32
    %scan3A_52 = scf.for %scan3A_100 = %scan3A_48 to %scan3A_50 step %scan3A_51 iter_args(%scan3A_101 = %scan3A) -> (i32)  : i32 {
      %mul3A_102 = arith.constant 16 : i32
      %mul3A_103 = arith.muli %scan3A_100, %mul3A_102 : i32
      %get3A = arith.index_cast %mul3A_103 : i32 to index
      %get3A_104 = tpu.vector_load %arg7[%get3A] {strides = array<i32>} : memref<1024xi32, #tpu.memory_space<vmem>>, vector<16xi32>,
      %mul3A_105 = arith.constant 16 : i32
      %mul3A_106 = arith.muli %scan3A_100, %mul3A_105 : i32
      %get3A_107 = arith.index_cast %mul3A_106 : i32 to index
      %get3A_108 = tpu.vector_load %arg8[%get3A_107] {strides = array<i32>} : memref<1024xf32, #tpu.memory_space<vmem>>, vector<16xf32>,
      %lt3A_109 = arith.cmpi slt, %get3A_104, %broadcast_in_dim3A_44 : vector<16xi32>
      %mul3A_110 = arith.constant 16 : i32
      %mul3A_111 = arith.muli %scan3A_100, %mul3A_110 : i32
      %add3A_112 = arith.addi %mul3A_32, %mul3A_111 : i32
      %broadcast_in_dim3A_113 = vector.broadcast %add3A_112 : i32 to vector<16xi32>
      %add3A_114 = arith.addi %broadcast_in_dim3A_113, %iota3A : vector<16xi32>
      %sub3A_115 = arith.subi %get3A_104, %broadcast_in_dim3A_45 : vector<16xi32>
      %select_n3A_116 = arith.select %lt3A_109, %sub3A_115, %broadcast_in_dim3A_47 : vector<16xi1>, vector<16xi32>
      tpu.vector_store_idx %arg9[%select_n3A_116], %add3A_114 : memref<1056xi32, #tpu.memory_space<vmem>>[vector<16xi32>], vector<16xi32>,
      tpu.vector_store_idx %arg10[%select_n3A_116], %get3A_108 : memref<1056xf32, #tpu.memory_space<vmem>>[vector<16xi32>], vector<16xf32>,
      %all_reduce_population_count3A = tpu.all_reduce %lt3A_109 {dim = 0 : i64, kind = #tpu.reduction_kind<sum>} : vector<16xi1> -> vector<16xi32>
      %slice3A = vector.extract_strided_slice %all_reduce_population_count3A {offsets = [0], sizes = [1], strides = [1]} : vector<16xi32> to vector<1xi32>
      %squeeze3A = vector.extract %slice3A[0] : i32 from vector<1xi32>
      %add3A_117 = arith.addi %scan3A_101, %squeeze3A : i32
      scf.yield %add3A_117 : i32
    }
    %scan3A_53 = arith.constant 64 : i32
    %broadcast_in_dim3A_54 = arith.constant 0 : i32
    %broadcast_in_dim3A_55 = vector.broadcast %broadcast_in_dim3A_54 : i32 to vector<16xi32>
    %swap3A = arith.index_cast %scan3A_52 : i32 to index
    %swap3A_56 = tpu.vector_load %arg9[%swap3A] {strides = array<i32>} : memref<1056xi32, #tpu.memory_space<vmem>>, vector<16xi32>,
    tpu.vector_store %arg9[%swap3A], %broadcast_in_dim3A_55 {strides = array<i32>} : memref<1056xi32, #tpu.memory_space<vmem>>, vector<16xi32>,
    %broadcast_in_dim3A_57 = arith.constant 0 : i32
    %broadcast_in_dim3A_58 = vector.broadcast %broadcast_in_dim3A_57 : i32 to vector<16xi32>
    %add3A_59 = arith.constant 16 : i32
    %add3A_60 = arith.addi %scan3A_52, %add3A_59 : i32
    %swap3A_61 = arith.index_cast %add3A_60 : i32 to index
    %swap3A_62 = tpu.vector_load %arg9[%swap3A_61] {strides = array<i32>} : memref<1056xi32, #tpu.memory_space<vmem>>, vector<16xi32>,
    tpu.vector_store %arg9[%swap3A_61], %broadcast_in_dim3A_58 {strides = array<i32>} : memref<1056xi32, #tpu.memory_space<vmem>>, vector<16xi32>,
    "tpu.region"() ({
      %run_scoped3A = tpu.sem_alloc : memref<!tpu.dma_semaphore, #tpu.memory_space<semaphore_mem>>
      %dma_start3A = arith.constant 0 : i32
      %dma_start3A_100 = tpu.memref_slice %arg10[%dma_start3A] : memref<1056xf32, #tpu.memory_space<vmem>> -> memref<1024xf32, #tpu.memory_space<vmem>>
      %dma_start3A_101 = tpu.memref_slice %arg6[%mul3A_37] : memref<32768xf32, #tpu.memory_space<hbm>> -> memref<1024xf32, #tpu.memory_space<hbm>>
      %dma_start3A_102 = tpu.memref_slice %arg6[%mul3A_37] : memref<32768xf32, #tpu.memory_space<hbm>> -> memref<1024xf32, #tpu.memory_space<hbm>>
      %dma_start3A_103 = arith.constant 0 : i32
      %dma_start3A_104 = tpu.memref_slice %arg10[%dma_start3A_103] : memref<1056xf32, #tpu.memory_space<vmem>> -> memref<1024xf32, #tpu.memory_space<vmem>>
      tpu.enqueue_dma source(%dma_start3A_104 : memref<1024xf32, #tpu.memory_space<vmem>>) target(%dma_start3A_102 : memref<1024xf32, #tpu.memory_space<hbm>>) target_semaphore(%run_scoped3A : memref<!tpu.dma_semaphore, #tpu.memory_space<semaphore_mem>>)
      %dma_wait3A = arith.constant 0 : i32
      %dma_wait3A_105 = tpu.memref_slice %arg10[%dma_wait3A] : memref<1056xf32, #tpu.memory_space<vmem>> -> memref<1024xf32, #tpu.memory_space<vmem>>
      %dma_wait3A_106 = tpu.memref_slice %arg6[%mul3A_37] : memref<32768xf32, #tpu.memory_space<hbm>> -> memref<1024xf32, #tpu.memory_space<hbm>>
      %dma_wait3A_107 = tpu.memref_slice %arg6[%mul3A_37] : memref<32768xf32, #tpu.memory_space<hbm>> -> memref<1024xf32, #tpu.memory_space<hbm>>
      %dma_wait3A_108 = arith.constant 0 : i32
      %dma_wait3A_109 = tpu.memref_slice %arg10[%dma_wait3A_108] : memref<1056xf32, #tpu.memory_space<vmem>> -> memref<1024xf32, #tpu.memory_space<vmem>>
      tpu.wait_dma2 semaphore(%run_scoped3A : memref<!tpu.dma_semaphore, #tpu.memory_space<semaphore_mem>>) src(%dma_wait3A_109 : memref<1024xf32, #tpu.memory_space<vmem>>) dst(%dma_wait3A_107 : memref<1024xf32, #tpu.memory_space<hbm>>)
      tpu.yield
    }) : () -> ()
    %add3A_63 = arith.constant 32 : i32
    %add3A_64 = arith.addi %scan3A_52, %add3A_63 : i32
    %sub3A_65 = arith.constant 1 : i32
    %sub3A_66 = arith.subi %add3A_64, %sub3A_65 : i32
    %jit3A_67 = arith.constant 32 : i32
    %div3A_68 = arith.divsi %sub3A_66, %jit3A_67 : i32
    %sign3A_69 = arith.constant 0 : i32
    %sign3A_70 = arith.cmpi sgt, %sub3A_66, %sign3A_69 : i32
    %sign3A_71 = arith.extui %sign3A_70 : i1 to i32
    %sign3A_72 = arith.constant 0 : i32
    %sign3A_73 = arith.cmpi slt, %sub3A_66, %sign3A_72 : i32
    %sign3A_74 = arith.extui %sign3A_73 : i1 to i32
    %sign3A_75 = arith.subi %sign3A_71, %sign3A_74 : i32
    %sign3A_76 = arith.constant 0 : i32
    %sign3A_77 = arith.cmpi sgt, %jit3A_67, %sign3A_76 : i32
    %sign3A_78 = arith.extui %sign3A_77 : i1 to i32
    %sign3A_79 = arith.constant 0 : i32
    %sign3A_80 = arith.cmpi slt, %jit3A_67, %sign3A_79 : i32
    %sign3A_81 = arith.extui %sign3A_80 : i1 to i32
    %sign3A_82 = arith.subi %sign3A_78, %sign3A_81 : i32
    %ne3A_83 = arith.cmpi ne, %sign3A_75, %sign3A_82 : i32
    %rem3A_84 = arith.remsi %sub3A_66, %jit3A_67 : i32
    %ne3A_85 = arith.constant 0 : i32
    %ne3A_86 = arith.cmpi ne, %rem3A_84, %ne3A_85 : i32
    %and3A_87 = arith.andi %ne3A_83, %ne3A_86 : i1
    %sub3A_88 = arith.constant 1 : i32
    %sub3A_89 = arith.subi %div3A_68, %sub3A_88 : i32
    %select_n3A_90 = arith.select %and3A_87, %sub3A_89, %div3A_68 : i32
    %while3A = arith.constant 0 : i32
    %while3A_91 = arith.constant 0 : i32
    %while3A_92 = arith.subi %select_n3A_90, %while3A_91 : i32
    %while3A_93 = arith.addi %while3A_91, %while3A_92 : i32
    %while3A_94 = arith.constant 1 : i32
    %while3A_95 = arith.divsi %while3A_92, %while3A_94 : i32
    %while3A_96 = arith.muli %while3A_95, %while3A_94 : i32
    %while3A_97 = arith.addi %while3A_91, %while3A_96 : i32
    %while3A_98 = arith.constant 1 : i32
    scf.for %while3A_100 = %while3A_91 to %while3A_97 step %while3A_98  : i32 {
      %mul3A_101 = arith.constant 32 : i32
      %mul3A_102 = arith.muli %while3A_100, %mul3A_101 : i32
      %dma_start3A = tpu.memref_slice %arg9[%mul3A_102] : memref<1056xi32, #tpu.memory_space<vmem>> -> memref<32xi32, #tpu.memory_space<vmem>>
      %dma_start3A_103 = arith.constant 0 : i32
      %dma_start3A_104 = arith.constant 0 : i32
      %dma_start3A_105 = tpu.memref_slice %arg4[%dma_start3A_103, %dma_start3A_104] : memref<8192x1024xf32, #tpu.memory_space<hbm>> -> memref<8192x1024xf32, #tpu.memory_space<hbm>>
      tpu.enqueue_indirect_dma source(%dma_start3A_105 : memref<8192x1024xf32, #tpu.memory_space<hbm>>) target(%arg11 : memref<32x1024xf32, #tpu.memory_space<vmem>>) offsets(%dma_start3A : memref<32xi32, #tpu.memory_space<vmem>>) semaphore(%arg12 : memref<!tpu.dma_semaphore, #tpu.memory_space<semaphore_mem>>)
      %dma_wait3A = tpu.memref_slice %arg9[%mul3A_102] : memref<1056xi32, #tpu.memory_space<vmem>> -> memref<32xi32, #tpu.memory_space<vmem>>
      %dma_wait3A_106 = arith.constant 0 : i32
      %dma_wait3A_107 = arith.constant 0 : i32
      %dma_wait3A_108 = tpu.memref_slice %arg4[%dma_wait3A_106, %dma_wait3A_107] : memref<8192x1024xf32, #tpu.memory_space<hbm>> -> memref<8192x1024xf32, #tpu.memory_space<hbm>>
      tpu.wait_indirect_dma semaphore(%arg12 : memref<!tpu.dma_semaphore, #tpu.memory_space<semaphore_mem>>) src(%dma_wait3A_108 : memref<8192x1024xf32, #tpu.memory_space<hbm>>) dst(%arg11 : memref<32x1024xf32, #tpu.memory_space<vmem>>)
      %mul3A_109 = arith.constant 32 : i32
      %mul3A_110 = arith.muli %while3A_100, %mul3A_109 : i32
      %add3A_111 = arith.addi %mul3A_37, %mul3A_110 : i32
      "tpu.region"() ({
        %run_scoped3A = tpu.sem_alloc : memref<!tpu.dma_semaphore, #tpu.memory_space<semaphore_mem>>
        %dma_start3A_112 = arith.constant 0 : i32
        %dma_start3A_113 = tpu.memref_slice %arg5[%add3A_111, %dma_start3A_112] : memref<32768x1024xf32, #tpu.memory_space<hbm>> -> memref<32x1024xf32, #tpu.memory_space<hbm>>
        %dma_start3A_114 = arith.constant 0 : i32
        %dma_start3A_115 = tpu.memref_slice %arg5[%add3A_111, %dma_start3A_114] : memref<32768x1024xf32, #tpu.memory_space<hbm>> -> memref<32x1024xf32, #tpu.memory_space<hbm>>
        tpu.enqueue_dma source(%arg11 : memref<32x1024xf32, #tpu.memory_space<vmem>>) target(%dma_start3A_115 : memref<32x1024xf32, #tpu.memory_space<hbm>>) target_semaphore(%run_scoped3A : memref<!tpu.dma_semaphore, #tpu.memory_space<semaphore_mem>>)
        %dma_wait3A_116 = arith.constant 0 : i32
        %dma_wait3A_117 = tpu.memref_slice %arg5[%add3A_111, %dma_wait3A_116] : memref<32768x1024xf32, #tpu.memory_space<hbm>> -> memref<32x1024xf32, #tpu.memory_space<hbm>>
        %dma_wait3A_118 = arith.constant 0 : i32
        %dma_wait3A_119 = tpu.memref_slice %arg5[%add3A_111, %dma_wait3A_118] : memref<32768x1024xf32, #tpu.memory_space<hbm>> -> memref<32x1024xf32, #tpu.memory_space<hbm>>
        tpu.wait_dma2 semaphore(%run_scoped3A : memref<!tpu.dma_semaphore, #tpu.memory_space<semaphore_mem>>) src(%arg11 : memref<32x1024xf32, #tpu.memory_space<vmem>>) dst(%dma_wait3A_119 : memref<32x1024xf32, #tpu.memory_space<hbm>>)
        tpu.yield
      }) : () -> ()
    }
    %while3A_99 = arith.constant 1 : i32
    scf.for %while3A_100 = %while3A_97 to %while3A_93 step %while3A_99  : i32 {
      %mul3A_101 = arith.constant 32 : i32
      %mul3A_102 = arith.muli %while3A_100, %mul3A_101 : i32
      %dma_start3A = tpu.memref_slice %arg9[%mul3A_102] : memref<1056xi32, #tpu.memory_space<vmem>> -> memref<32xi32, #tpu.memory_space<vmem>>
      %dma_start3A_103 = arith.constant 0 : i32
      %dma_start3A_104 = arith.constant 0 : i32
      %dma_start3A_105 = tpu.memref_slice %arg4[%dma_start3A_103, %dma_start3A_104] : memref<8192x1024xf32, #tpu.memory_space<hbm>> -> memref<8192x1024xf32, #tpu.memory_space<hbm>>
      tpu.enqueue_indirect_dma source(%dma_start3A_105 : memref<8192x1024xf32, #tpu.memory_space<hbm>>) target(%arg11 : memref<32x1024xf32, #tpu.memory_space<vmem>>) offsets(%dma_start3A : memref<32xi32, #tpu.memory_space<vmem>>) semaphore(%arg12 : memref<!tpu.dma_semaphore, #tpu.memory_space<semaphore_mem>>)
      %dma_wait3A = tpu.memref_slice %arg9[%mul3A_102] : memref<1056xi32, #tpu.memory_space<vmem>> -> memref<32xi32, #tpu.memory_space<vmem>>
      %dma_wait3A_106 = arith.constant 0 : i32
      %dma_wait3A_107 = arith.constant 0 : i32
      %dma_wait3A_108 = tpu.memref_slice %arg4[%dma_wait3A_106, %dma_wait3A_107] : memref<8192x1024xf32, #tpu.memory_space<hbm>> -> memref<8192x1024xf32, #tpu.memory_space<hbm>>
      tpu.wait_indirect_dma semaphore(%arg12 : memref<!tpu.dma_semaphore, #tpu.memory_space<semaphore_mem>>) src(%dma_wait3A_108 : memref<8192x1024xf32, #tpu.memory_space<hbm>>) dst(%arg11 : memref<32x1024xf32, #tpu.memory_space<vmem>>)
      %mul3A_109 = arith.constant 32 : i32
      %mul3A_110 = arith.muli %while3A_100, %mul3A_109 : i32
      %add3A_111 = arith.addi %mul3A_37, %mul3A_110 : i32
      "tpu.region"() ({
        %run_scoped3A = tpu.sem_alloc : memref<!tpu.dma_semaphore, #tpu.memory_space<semaphore_mem>>
        %dma_start3A_112 = arith.constant 0 : i32
        %dma_start3A_113 = tpu.memref_slice %arg5[%add3A_111, %dma_start3A_112] : memref<32768x1024xf32, #tpu.memory_space<hbm>> -> memref<32x1024xf32, #tpu.memory_space<hbm>>
        %dma_start3A_114 = arith.constant 0 : i32
        %dma_start3A_115 = tpu.memref_slice %arg5[%add3A_111, %dma_start3A_114] : memref<32768x1024xf32, #tpu.memory_space<hbm>> -> memref<32x1024xf32, #tpu.memory_space<hbm>>
        tpu.enqueue_dma source(%arg11 : memref<32x1024xf32, #tpu.memory_space<vmem>>) target(%dma_start3A_115 : memref<32x1024xf32, #tpu.memory_space<hbm>>) target_semaphore(%run_scoped3A : memref<!tpu.dma_semaphore, #tpu.memory_space<semaphore_mem>>)
        %dma_wait3A_116 = arith.constant 0 : i32
        %dma_wait3A_117 = tpu.memref_slice %arg5[%add3A_111, %dma_wait3A_116] : memref<32768x1024xf32, #tpu.memory_space<hbm>> -> memref<32x1024xf32, #tpu.memory_space<hbm>>
        %dma_wait3A_118 = arith.constant 0 : i32
        %dma_wait3A_119 = tpu.memref_slice %arg5[%add3A_111, %dma_wait3A_118] : memref<32768x1024xf32, #tpu.memory_space<hbm>> -> memref<32x1024xf32, #tpu.memory_space<hbm>>
        tpu.wait_dma2 semaphore(%run_scoped3A : memref<!tpu.dma_semaphore, #tpu.memory_space<semaphore_mem>>) src(%arg11 : memref<32x1024xf32, #tpu.memory_space<vmem>>) dst(%dma_wait3A_119 : memref<32x1024xf32, #tpu.memory_space<hbm>>)
        tpu.yield
      }) : () -> ()
    }
    return
  }
}

#map = affine_map<(d0, d1) -> (0)>
#map1 = affine_map<(d0, d1) -> (0, 0)>
module attributes {stable_mosaic.version = 14 : i64} {
  func.func @_sc_combine(%arg0: i32, %arg1: i32, %arg2: memref<32768xi32, #tpu.memory_space<hbm>>, %arg3: memref<33024x1024xf32, #tpu.memory_space<hbm>>, %arg4: memref<8192x1024xf32, #tpu.memory_space<hbm>>, %arg5: memref<1024xi32, #tpu.memory_space<vmem>>, %arg6: memref<16x1024xf32, #tpu.memory_space<vmem>>, %arg7: memref<16x1024xf32, #tpu.memory_space<vmem>>, %arg8: memref<16x1024xf32, #tpu.memory_space<vmem>>, %arg9: memref<16x1024xf32, #tpu.memory_space<vmem>>, %arg10: memref<16x1024xf32, #tpu.memory_space<vmem>>, %arg11: memref<!tpu.dma_semaphore, #tpu.memory_space<semaphore_mem>>, %arg12: memref<!tpu.dma_semaphore, #tpu.memory_space<semaphore_mem>>, %arg13: memref<!tpu.dma_semaphore, #tpu.memory_space<semaphore_mem>>, %arg14: memref<!tpu.dma_semaphore, #tpu.memory_space<semaphore_mem>>) attributes {dimension_semantics = [#tpu.dimension_semantics<core_parallel>, #tpu.dimension_semantics<subcore_parallel>], iteration_bounds = array<i64: 2, 16>, scalar_prefetch = 0 : i64, scratch_operands = 10 : i64, tpu.core_type = #tpu.core_type<sc_vector_subcore>, window_params = [{transform_indices = #map}, {transform_indices = #map1}, {transform_indices = #map1}]} {
    %mul3A = arith.constant 16 : i32
    %mul3A_0 = arith.muli %arg0, %mul3A : i32
    %add3A = arith.addi %mul3A_0, %arg1 : i32
    %mul3A_1 = arith.constant 256 : i32
    %mul3A_2 = arith.muli %add3A, %mul3A_1 : i32
    %add3A_3 = arith.constant 0 : i32
    %add3A_4 = arith.addi %add3A_3, %mul3A_2 : i32
    "tpu.region"() ({
      %run_scoped3A = tpu.sem_alloc : memref<!tpu.dma_semaphore, #tpu.memory_space<semaphore_mem>>
      %dma_start3A = arith.constant 0 : i32
      %dma_start3A_16 = tpu.memref_slice %arg5[%dma_start3A] : memref<1024xi32, #tpu.memory_space<vmem>> -> memref<256xi32, #tpu.memory_space<vmem>>
      %dma_start3A_17 = tpu.memref_slice %arg2[%add3A_4] : memref<32768xi32, #tpu.memory_space<hbm>> -> memref<256xi32, #tpu.memory_space<hbm>>
      %dma_start3A_18 = arith.constant 0 : i32
      %dma_start3A_19 = tpu.memref_slice %arg5[%dma_start3A_18] : memref<1024xi32, #tpu.memory_space<vmem>> -> memref<256xi32, #tpu.memory_space<vmem>>
      %dma_start3A_20 = tpu.memref_slice %arg2[%add3A_4] : memref<32768xi32, #tpu.memory_space<hbm>> -> memref<256xi32, #tpu.memory_space<hbm>>
      tpu.enqueue_dma source(%dma_start3A_20 : memref<256xi32, #tpu.memory_space<hbm>>) target(%dma_start3A_19 : memref<256xi32, #tpu.memory_space<vmem>>) target_semaphore(%run_scoped3A : memref<!tpu.dma_semaphore, #tpu.memory_space<semaphore_mem>>)
      %dma_wait3A = arith.constant 0 : i32
      %dma_wait3A_21 = tpu.memref_slice %arg5[%dma_wait3A] : memref<1024xi32, #tpu.memory_space<vmem>> -> memref<256xi32, #tpu.memory_space<vmem>>
      %dma_wait3A_22 = tpu.memref_slice %arg2[%add3A_4] : memref<32768xi32, #tpu.memory_space<hbm>> -> memref<256xi32, #tpu.memory_space<hbm>>
      %dma_wait3A_23 = arith.constant 0 : i32
      %dma_wait3A_24 = tpu.memref_slice %arg5[%dma_wait3A_23] : memref<1024xi32, #tpu.memory_space<vmem>> -> memref<256xi32, #tpu.memory_space<vmem>>
      %dma_wait3A_25 = tpu.memref_slice %arg2[%add3A_4] : memref<32768xi32, #tpu.memory_space<hbm>> -> memref<256xi32, #tpu.memory_space<hbm>>
      tpu.wait_dma2 semaphore(%run_scoped3A : memref<!tpu.dma_semaphore, #tpu.memory_space<semaphore_mem>>) src(%dma_wait3A_25 : memref<256xi32, #tpu.memory_space<hbm>>) dst(%dma_wait3A_24 : memref<256xi32, #tpu.memory_space<vmem>>)
      tpu.yield
    }) : () -> ()
    %add3A_5 = arith.constant 8192 : i32
    %add3A_6 = arith.addi %add3A_5, %mul3A_2 : i32
    "tpu.region"() ({
      %run_scoped3A = tpu.sem_alloc : memref<!tpu.dma_semaphore, #tpu.memory_space<semaphore_mem>>
      %dma_start3A = arith.constant 256 : i32
      %dma_start3A_16 = tpu.memref_slice %arg5[%dma_start3A] : memref<1024xi32, #tpu.memory_space<vmem>> -> memref<256xi32, #tpu.memory_space<vmem>>
      %dma_start3A_17 = tpu.memref_slice %arg2[%add3A_6] : memref<32768xi32, #tpu.memory_space<hbm>> -> memref<256xi32, #tpu.memory_space<hbm>>
      %dma_start3A_18 = arith.constant 256 : i32
      %dma_start3A_19 = tpu.memref_slice %arg5[%dma_start3A_18] : memref<1024xi32, #tpu.memory_space<vmem>> -> memref<256xi32, #tpu.memory_space<vmem>>
      %dma_start3A_20 = tpu.memref_slice %arg2[%add3A_6] : memref<32768xi32, #tpu.memory_space<hbm>> -> memref<256xi32, #tpu.memory_space<hbm>>
      tpu.enqueue_dma source(%dma_start3A_20 : memref<256xi32, #tpu.memory_space<hbm>>) target(%dma_start3A_19 : memref<256xi32, #tpu.memory_space<vmem>>) target_semaphore(%run_scoped3A : memref<!tpu.dma_semaphore, #tpu.memory_space<semaphore_mem>>)
      %dma_wait3A = arith.constant 256 : i32
      %dma_wait3A_21 = tpu.memref_slice %arg5[%dma_wait3A] : memref<1024xi32, #tpu.memory_space<vmem>> -> memref<256xi32, #tpu.memory_space<vmem>>
      %dma_wait3A_22 = tpu.memref_slice %arg2[%add3A_6] : memref<32768xi32, #tpu.memory_space<hbm>> -> memref<256xi32, #tpu.memory_space<hbm>>
      %dma_wait3A_23 = arith.constant 256 : i32
      %dma_wait3A_24 = tpu.memref_slice %arg5[%dma_wait3A_23] : memref<1024xi32, #tpu.memory_space<vmem>> -> memref<256xi32, #tpu.memory_space<vmem>>
      %dma_wait3A_25 = tpu.memref_slice %arg2[%add3A_6] : memref<32768xi32, #tpu.memory_space<hbm>> -> memref<256xi32, #tpu.memory_space<hbm>>
      tpu.wait_dma2 semaphore(%run_scoped3A : memref<!tpu.dma_semaphore, #tpu.memory_space<semaphore_mem>>) src(%dma_wait3A_25 : memref<256xi32, #tpu.memory_space<hbm>>) dst(%dma_wait3A_24 : memref<256xi32, #tpu.memory_space<vmem>>)
      tpu.yield
    }) : () -> ()
    %add3A_7 = arith.constant 16384 : i32
    %add3A_8 = arith.addi %add3A_7, %mul3A_2 : i32
    "tpu.region"() ({
      %run_scoped3A = tpu.sem_alloc : memref<!tpu.dma_semaphore, #tpu.memory_space<semaphore_mem>>
      %dma_start3A = arith.constant 512 : i32
      %dma_start3A_16 = tpu.memref_slice %arg5[%dma_start3A] : memref<1024xi32, #tpu.memory_space<vmem>> -> memref<256xi32, #tpu.memory_space<vmem>>
      %dma_start3A_17 = tpu.memref_slice %arg2[%add3A_8] : memref<32768xi32, #tpu.memory_space<hbm>> -> memref<256xi32, #tpu.memory_space<hbm>>
      %dma_start3A_18 = arith.constant 512 : i32
      %dma_start3A_19 = tpu.memref_slice %arg5[%dma_start3A_18] : memref<1024xi32, #tpu.memory_space<vmem>> -> memref<256xi32, #tpu.memory_space<vmem>>
      %dma_start3A_20 = tpu.memref_slice %arg2[%add3A_8] : memref<32768xi32, #tpu.memory_space<hbm>> -> memref<256xi32, #tpu.memory_space<hbm>>
      tpu.enqueue_dma source(%dma_start3A_20 : memref<256xi32, #tpu.memory_space<hbm>>) target(%dma_start3A_19 : memref<256xi32, #tpu.memory_space<vmem>>) target_semaphore(%run_scoped3A : memref<!tpu.dma_semaphore, #tpu.memory_space<semaphore_mem>>)
      %dma_wait3A = arith.constant 512 : i32
      %dma_wait3A_21 = tpu.memref_slice %arg5[%dma_wait3A] : memref<1024xi32, #tpu.memory_space<vmem>> -> memref<256xi32, #tpu.memory_space<vmem>>
      %dma_wait3A_22 = tpu.memref_slice %arg2[%add3A_8] : memref<32768xi32, #tpu.memory_space<hbm>> -> memref<256xi32, #tpu.memory_space<hbm>>
      %dma_wait3A_23 = arith.constant 512 : i32
      %dma_wait3A_24 = tpu.memref_slice %arg5[%dma_wait3A_23] : memref<1024xi32, #tpu.memory_space<vmem>> -> memref<256xi32, #tpu.memory_space<vmem>>
      %dma_wait3A_25 = tpu.memref_slice %arg2[%add3A_8] : memref<32768xi32, #tpu.memory_space<hbm>> -> memref<256xi32, #tpu.memory_space<hbm>>
      tpu.wait_dma2 semaphore(%run_scoped3A : memref<!tpu.dma_semaphore, #tpu.memory_space<semaphore_mem>>) src(%dma_wait3A_25 : memref<256xi32, #tpu.memory_space<hbm>>) dst(%dma_wait3A_24 : memref<256xi32, #tpu.memory_space<vmem>>)
      tpu.yield
    }) : () -> ()
    %add3A_9 = arith.constant 24576 : i32
    %add3A_10 = arith.addi %add3A_9, %mul3A_2 : i32
    "tpu.region"() ({
      %run_scoped3A = tpu.sem_alloc : memref<!tpu.dma_semaphore, #tpu.memory_space<semaphore_mem>>
      %dma_start3A = arith.constant 768 : i32
      %dma_start3A_16 = tpu.memref_slice %arg5[%dma_start3A] : memref<1024xi32, #tpu.memory_space<vmem>> -> memref<256xi32, #tpu.memory_space<vmem>>
      %dma_start3A_17 = tpu.memref_slice %arg2[%add3A_10] : memref<32768xi32, #tpu.memory_space<hbm>> -> memref<256xi32, #tpu.memory_space<hbm>>
      %dma_start3A_18 = arith.constant 768 : i32
      %dma_start3A_19 = tpu.memref_slice %arg5[%dma_start3A_18] : memref<1024xi32, #tpu.memory_space<vmem>> -> memref<256xi32, #tpu.memory_space<vmem>>
      %dma_start3A_20 = tpu.memref_slice %arg2[%add3A_10] : memref<32768xi32, #tpu.memory_space<hbm>> -> memref<256xi32, #tpu.memory_space<hbm>>
      tpu.enqueue_dma source(%dma_start3A_20 : memref<256xi32, #tpu.memory_space<hbm>>) target(%dma_start3A_19 : memref<256xi32, #tpu.memory_space<vmem>>) target_semaphore(%run_scoped3A : memref<!tpu.dma_semaphore, #tpu.memory_space<semaphore_mem>>)
      %dma_wait3A = arith.constant 768 : i32
      %dma_wait3A_21 = tpu.memref_slice %arg5[%dma_wait3A] : memref<1024xi32, #tpu.memory_space<vmem>> -> memref<256xi32, #tpu.memory_space<vmem>>
      %dma_wait3A_22 = tpu.memref_slice %arg2[%add3A_10] : memref<32768xi32, #tpu.memory_space<hbm>> -> memref<256xi32, #tpu.memory_space<hbm>>
      %dma_wait3A_23 = arith.constant 768 : i32
      %dma_wait3A_24 = tpu.memref_slice %arg5[%dma_wait3A_23] : memref<1024xi32, #tpu.memory_space<vmem>> -> memref<256xi32, #tpu.memory_space<vmem>>
      %dma_wait3A_25 = tpu.memref_slice %arg2[%add3A_10] : memref<32768xi32, #tpu.memory_space<hbm>> -> memref<256xi32, #tpu.memory_space<hbm>>
      tpu.wait_dma2 semaphore(%run_scoped3A : memref<!tpu.dma_semaphore, #tpu.memory_space<semaphore_mem>>) src(%dma_wait3A_25 : memref<256xi32, #tpu.memory_space<hbm>>) dst(%dma_wait3A_24 : memref<256xi32, #tpu.memory_space<vmem>>)
      tpu.yield
    }) : () -> ()
    %scan3A = arith.constant 0 : i32
    %scan3A_11 = arith.constant 0 : i32
    %scan3A_12 = arith.constant 16 : i32
    %scan3A_13 = arith.addi %scan3A_11, %scan3A_12 : i32
    %scan3A_14 = arith.constant 1 : i32
    scf.for %scan3A_16 = %scan3A_11 to %scan3A_13 step %scan3A_14  : i32 {
      %mul3A_17 = arith.constant 16 : i32
      %mul3A_18 = arith.muli %scan3A_16, %mul3A_17 : i32
      %add3A_19 = arith.constant 0 : i32
      %add3A_20 = arith.addi %add3A_19, %mul3A_18 : i32
      %dma_start3A = tpu.memref_slice %arg5[%add3A_20] : memref<1024xi32, #tpu.memory_space<vmem>> -> memref<16xi32, #tpu.memory_space<vmem>>
      %dma_start3A_21 = arith.constant 0 : i32
      %dma_start3A_22 = arith.constant 0 : i32
      %dma_start3A_23 = tpu.memref_slice %arg3[%dma_start3A_21, %dma_start3A_22] : memref<33024x1024xf32, #tpu.memory_space<hbm>> -> memref<33024x1024xf32, #tpu.memory_space<hbm>>
      tpu.enqueue_indirect_dma source(%dma_start3A_23 : memref<33024x1024xf32, #tpu.memory_space<hbm>>) target(%arg6 : memref<16x1024xf32, #tpu.memory_space<vmem>>) offsets(%dma_start3A : memref<16xi32, #tpu.memory_space<vmem>>) semaphore(%arg11 : memref<!tpu.dma_semaphore, #tpu.memory_space<semaphore_mem>>)
      %mul3A_24 = arith.constant 16 : i32
      %mul3A_25 = arith.muli %scan3A_16, %mul3A_24 : i32
      %add3A_26 = arith.constant 256 : i32
      %add3A_27 = arith.addi %add3A_26, %mul3A_25 : i32
      %dma_start3A_28 = tpu.memref_slice %arg5[%add3A_27] : memref<1024xi32, #tpu.memory_space<vmem>> -> memref<16xi32, #tpu.memory_space<vmem>>
      %dma_start3A_29 = arith.constant 0 : i32
      %dma_start3A_30 = arith.constant 0 : i32
      %dma_start3A_31 = tpu.memref_slice %arg3[%dma_start3A_29, %dma_start3A_30] : memref<33024x1024xf32, #tpu.memory_space<hbm>> -> memref<33024x1024xf32, #tpu.memory_space<hbm>>
      tpu.enqueue_indirect_dma source(%dma_start3A_31 : memref<33024x1024xf32, #tpu.memory_space<hbm>>) target(%arg7 : memref<16x1024xf32, #tpu.memory_space<vmem>>) offsets(%dma_start3A_28 : memref<16xi32, #tpu.memory_space<vmem>>) semaphore(%arg12 : memref<!tpu.dma_semaphore, #tpu.memory_space<semaphore_mem>>)
      %mul3A_32 = arith.constant 16 : i32
      %mul3A_33 = arith.muli %scan3A_16, %mul3A_32 : i32
      %add3A_34 = arith.constant 512 : i32
      %add3A_35 = arith.addi %add3A_34, %mul3A_33 : i32
      %dma_start3A_36 = tpu.memref_slice %arg5[%add3A_35] : memref<1024xi32, #tpu.memory_space<vmem>> -> memref<16xi32, #tpu.memory_space<vmem>>
      %dma_start3A_37 = arith.constant 0 : i32
      %dma_start3A_38 = arith.constant 0 : i32
      %dma_start3A_39 = tpu.memref_slice %arg3[%dma_start3A_37, %dma_start3A_38] : memref<33024x1024xf32, #tpu.memory_space<hbm>> -> memref<33024x1024xf32, #tpu.memory_space<hbm>>
      tpu.enqueue_indirect_dma source(%dma_start3A_39 : memref<33024x1024xf32, #tpu.memory_space<hbm>>) target(%arg8 : memref<16x1024xf32, #tpu.memory_space<vmem>>) offsets(%dma_start3A_36 : memref<16xi32, #tpu.memory_space<vmem>>) semaphore(%arg13 : memref<!tpu.dma_semaphore, #tpu.memory_space<semaphore_mem>>)
      %mul3A_40 = arith.constant 16 : i32
      %mul3A_41 = arith.muli %scan3A_16, %mul3A_40 : i32
      %add3A_42 = arith.constant 768 : i32
      %add3A_43 = arith.addi %add3A_42, %mul3A_41 : i32
      %dma_start3A_44 = tpu.memref_slice %arg5[%add3A_43] : memref<1024xi32, #tpu.memory_space<vmem>> -> memref<16xi32, #tpu.memory_space<vmem>>
      %dma_start3A_45 = arith.constant 0 : i32
      %dma_start3A_46 = arith.constant 0 : i32
      %dma_start3A_47 = tpu.memref_slice %arg3[%dma_start3A_45, %dma_start3A_46] : memref<33024x1024xf32, #tpu.memory_space<hbm>> -> memref<33024x1024xf32, #tpu.memory_space<hbm>>
      tpu.enqueue_indirect_dma source(%dma_start3A_47 : memref<33024x1024xf32, #tpu.memory_space<hbm>>) target(%arg9 : memref<16x1024xf32, #tpu.memory_space<vmem>>) offsets(%dma_start3A_44 : memref<16xi32, #tpu.memory_space<vmem>>) semaphore(%arg14 : memref<!tpu.dma_semaphore, #tpu.memory_space<semaphore_mem>>)
      %dma_wait3A = tpu.memref_slice %arg5[%add3A_20] : memref<1024xi32, #tpu.memory_space<vmem>> -> memref<16xi32, #tpu.memory_space<vmem>>
      %dma_wait3A_48 = arith.constant 0 : i32
      %dma_wait3A_49 = arith.constant 0 : i32
      %dma_wait3A_50 = tpu.memref_slice %arg3[%dma_wait3A_48, %dma_wait3A_49] : memref<33024x1024xf32, #tpu.memory_space<hbm>> -> memref<33024x1024xf32, #tpu.memory_space<hbm>>
      tpu.wait_indirect_dma semaphore(%arg11 : memref<!tpu.dma_semaphore, #tpu.memory_space<semaphore_mem>>) src(%dma_wait3A_50 : memref<33024x1024xf32, #tpu.memory_space<hbm>>) dst(%arg6 : memref<16x1024xf32, #tpu.memory_space<vmem>>)
      %dma_wait3A_51 = tpu.memref_slice %arg5[%add3A_27] : memref<1024xi32, #tpu.memory_space<vmem>> -> memref<16xi32, #tpu.memory_space<vmem>>
      %dma_wait3A_52 = arith.constant 0 : i32
      %dma_wait3A_53 = arith.constant 0 : i32
      %dma_wait3A_54 = tpu.memref_slice %arg3[%dma_wait3A_52, %dma_wait3A_53] : memref<33024x1024xf32, #tpu.memory_space<hbm>> -> memref<33024x1024xf32, #tpu.memory_space<hbm>>
      tpu.wait_indirect_dma semaphore(%arg12 : memref<!tpu.dma_semaphore, #tpu.memory_space<semaphore_mem>>) src(%dma_wait3A_54 : memref<33024x1024xf32, #tpu.memory_space<hbm>>) dst(%arg7 : memref<16x1024xf32, #tpu.memory_space<vmem>>)
      %dma_wait3A_55 = tpu.memref_slice %arg5[%add3A_35] : memref<1024xi32, #tpu.memory_space<vmem>> -> memref<16xi32, #tpu.memory_space<vmem>>
      %dma_wait3A_56 = arith.constant 0 : i32
      %dma_wait3A_57 = arith.constant 0 : i32
      %dma_wait3A_58 = tpu.memref_slice %arg3[%dma_wait3A_56, %dma_wait3A_57] : memref<33024x1024xf32, #tpu.memory_space<hbm>> -> memref<33024x1024xf32, #tpu.memory_space<hbm>>
      tpu.wait_indirect_dma semaphore(%arg13 : memref<!tpu.dma_semaphore, #tpu.memory_space<semaphore_mem>>) src(%dma_wait3A_58 : memref<33024x1024xf32, #tpu.memory_space<hbm>>) dst(%arg8 : memref<16x1024xf32, #tpu.memory_space<vmem>>)
      %dma_wait3A_59 = tpu.memref_slice %arg5[%add3A_43] : memref<1024xi32, #tpu.memory_space<vmem>> -> memref<16xi32, #tpu.memory_space<vmem>>
      %dma_wait3A_60 = arith.constant 0 : i32
      %dma_wait3A_61 = arith.constant 0 : i32
      %dma_wait3A_62 = tpu.memref_slice %arg3[%dma_wait3A_60, %dma_wait3A_61] : memref<33024x1024xf32, #tpu.memory_space<hbm>> -> memref<33024x1024xf32, #tpu.memory_space<hbm>>
      tpu.wait_indirect_dma semaphore(%arg14 : memref<!tpu.dma_semaphore, #tpu.memory_space<semaphore_mem>>) src(%dma_wait3A_62 : memref<33024x1024xf32, #tpu.memory_space<hbm>>) dst(%arg9 : memref<16x1024xf32, #tpu.memory_space<vmem>>)
      %parallel_loop3A = arith.constant 0 : i32
      %parallel_loop3A_63 = arith.constant 1024 : i32
      %parallel_loop3A_64 = arith.constant 1 : i32
      scf.for %parallel_loop3A_68 = %parallel_loop3A to %parallel_loop3A_63 step %parallel_loop3A_64  : i32 {
        %parallel_loop3A_69 = arith.constant 64 : i32
        %parallel_loop3A_70 = arith.divsi %parallel_loop3A_68, %parallel_loop3A_69 : i32
        %parallel_loop3A_71 = arith.constant 0 : i32
        %parallel_loop3A_72 = arith.cmpi sgt, %parallel_loop3A_68, %parallel_loop3A_71 : i32
        %parallel_loop3A_73 = arith.extui %parallel_loop3A_72 : i1 to i32
        %parallel_loop3A_74 = arith.constant 0 : i32
        %parallel_loop3A_75 = arith.cmpi slt, %parallel_loop3A_68, %parallel_loop3A_74 : i32
        %parallel_loop3A_76 = arith.extui %parallel_loop3A_75 : i1 to i32
        %parallel_loop3A_77 = arith.subi %parallel_loop3A_73, %parallel_loop3A_76 : i32
        %parallel_loop3A_78 = arith.constant 0 : i32
        %parallel_loop3A_79 = arith.cmpi sgt, %parallel_loop3A_69, %parallel_loop3A_78 : i32
        %parallel_loop3A_80 = arith.extui %parallel_loop3A_79 : i1 to i32
        %parallel_loop3A_81 = arith.constant 0 : i32
        %parallel_loop3A_82 = arith.cmpi slt, %parallel_loop3A_69, %parallel_loop3A_81 : i32
        %parallel_loop3A_83 = arith.extui %parallel_loop3A_82 : i1 to i32
        %parallel_loop3A_84 = arith.subi %parallel_loop3A_80, %parallel_loop3A_83 : i32
        %parallel_loop3A_85 = arith.cmpi ne, %parallel_loop3A_77, %parallel_loop3A_84 : i32
        %parallel_loop3A_86 = arith.remsi %parallel_loop3A_68, %parallel_loop3A_69 : i32
        %parallel_loop3A_87 = arith.constant 0 : i32
        %parallel_loop3A_88 = arith.cmpi ne, %parallel_loop3A_86, %parallel_loop3A_87 : i32
        %parallel_loop3A_89 = arith.andi %parallel_loop3A_85, %parallel_loop3A_88 : i1
        %parallel_loop3A_90 = arith.constant 1 : i32
        %parallel_loop3A_91 = arith.subi %parallel_loop3A_70, %parallel_loop3A_90 : i32
        %parallel_loop3A_92 = arith.select %parallel_loop3A_89, %parallel_loop3A_91, %parallel_loop3A_70 : i32
        %parallel_loop3A_93 = arith.constant 64 : i32
        %parallel_loop3A_94 = arith.constant 0 : i32
        %parallel_loop3A_95 = arith.cmpi eq, %parallel_loop3A_93, %parallel_loop3A_94 : i32
        %parallel_loop3A_96 = arith.constant 1 : i32
        %parallel_loop3A_97 = arith.select %parallel_loop3A_95, %parallel_loop3A_96, %parallel_loop3A_93 : i32
        %parallel_loop3A_98 = arith.remsi %parallel_loop3A_68, %parallel_loop3A_97 : i32
        %parallel_loop3A_99 = arith.constant 0 : i32
        %parallel_loop3A_100 = arith.cmpi ne, %parallel_loop3A_98, %parallel_loop3A_99 : i32
        %parallel_loop3A_101 = arith.constant 0 : i32
        %parallel_loop3A_102 = arith.cmpi slt, %parallel_loop3A_98, %parallel_loop3A_101 : i32
        %parallel_loop3A_103 = arith.constant 0 : i32
        %parallel_loop3A_104 = arith.cmpi slt, %parallel_loop3A_97, %parallel_loop3A_103 : i32
        %parallel_loop3A_105 = arith.xori %parallel_loop3A_102, %parallel_loop3A_104 : i1
        %parallel_loop3A_106 = arith.andi %parallel_loop3A_105, %parallel_loop3A_100 : i1
        %parallel_loop3A_107 = arith.addi %parallel_loop3A_98, %parallel_loop3A_97 : i32
        %parallel_loop3A_108 = arith.select %parallel_loop3A_106, %parallel_loop3A_107, %parallel_loop3A_98 : i32
        %parallel_loop3A_109 = arith.constant 16 : i32
        %parallel_loop3A_110 = arith.muli %parallel_loop3A_108, %parallel_loop3A_109 : i32
        %parallel_loop3A_111 = arith.index_cast %parallel_loop3A_92 : i32 to index
        %parallel_loop3A_112 = arith.index_cast %parallel_loop3A_110 : i32 to index
        %parallel_loop3A_113 = tpu.vector_load %arg6[%parallel_loop3A_111, %parallel_loop3A_112] {strides = array<i32>} : memref<16x1024xf32, #tpu.memory_space<vmem>>, vector<1x16xf32>,
        %parallel_loop3A_114 = vector.shape_cast %parallel_loop3A_113 : vector<1x16xf32> to vector<16xf32>
        %parallel_loop3A_115 = arith.index_cast %parallel_loop3A_92 : i32 to index
        %parallel_loop3A_116 = arith.index_cast %parallel_loop3A_110 : i32 to index
        %parallel_loop3A_117 = tpu.vector_load %arg7[%parallel_loop3A_115, %parallel_loop3A_116] {strides = array<i32>} : memref<16x1024xf32, #tpu.memory_space<vmem>>, vector<1x16xf32>,
        %parallel_loop3A_118 = vector.shape_cast %parallel_loop3A_117 : vector<1x16xf32> to vector<16xf32>
        %parallel_loop3A_119 = arith.addf %parallel_loop3A_114, %parallel_loop3A_118 : vector<16xf32>
        %parallel_loop3A_120 = arith.index_cast %parallel_loop3A_92 : i32 to index
        %parallel_loop3A_121 = arith.index_cast %parallel_loop3A_110 : i32 to index
        %parallel_loop3A_122 = tpu.vector_load %arg8[%parallel_loop3A_120, %parallel_loop3A_121] {strides = array<i32>} : memref<16x1024xf32, #tpu.memory_space<vmem>>, vector<1x16xf32>,
        %parallel_loop3A_123 = vector.shape_cast %parallel_loop3A_122 : vector<1x16xf32> to vector<16xf32>
        %parallel_loop3A_124 = arith.addf %parallel_loop3A_119, %parallel_loop3A_123 : vector<16xf32>
        %parallel_loop3A_125 = arith.index_cast %parallel_loop3A_92 : i32 to index
        %parallel_loop3A_126 = arith.index_cast %parallel_loop3A_110 : i32 to index
        %parallel_loop3A_127 = tpu.vector_load %arg9[%parallel_loop3A_125, %parallel_loop3A_126] {strides = array<i32>} : memref<16x1024xf32, #tpu.memory_space<vmem>>, vector<1x16xf32>,
        %parallel_loop3A_128 = vector.shape_cast %parallel_loop3A_127 : vector<1x16xf32> to vector<16xf32>
        %parallel_loop3A_129 = arith.addf %parallel_loop3A_124, %parallel_loop3A_128 : vector<16xf32>
        %parallel_loop3A_130 = arith.index_cast %parallel_loop3A_92 : i32 to index
        %parallel_loop3A_131 = arith.index_cast %parallel_loop3A_110 : i32 to index
        %parallel_loop3A_132 = tpu.vector_load %arg10[%parallel_loop3A_130, %parallel_loop3A_131] {strides = array<i32>} : memref<16x1024xf32, #tpu.memory_space<vmem>>, vector<1x16xf32>,
        %parallel_loop3A_133 = vector.shape_cast %parallel_loop3A_132 : vector<1x16xf32> to vector<16xf32>
        %parallel_loop3A_134 = vector.shape_cast %parallel_loop3A_129 : vector<16xf32> to vector<1x16xf32>
        tpu.vector_store %arg10[%parallel_loop3A_130, %parallel_loop3A_131], %parallel_loop3A_134 {strides = array<i32>} : memref<16x1024xf32, #tpu.memory_space<vmem>>, vector<1x16xf32>,
      } {sc.loop_unroll_factor = 8 : i64, sc.parallel_access}
      %mul3A_65 = arith.constant 16 : i32
      %mul3A_66 = arith.muli %scan3A_16, %mul3A_65 : i32
      %add3A_67 = arith.addi %mul3A_2, %mul3A_66 : i32
      "tpu.region"() ({
        %run_scoped3A = tpu.sem_alloc : memref<!tpu.dma_semaphore, #tpu.memory_space<semaphore_mem>>
        %dma_start3A_68 = arith.constant 0 : i32
        %dma_start3A_69 = tpu.memref_slice %arg4[%add3A_67, %dma_start3A_68] : memref<8192x1024xf32, #tpu.memory_space<hbm>> -> memref<16x1024xf32, #tpu.memory_space<hbm>>
        %dma_start3A_70 = arith.constant 0 : i32
        %dma_start3A_71 = tpu.memref_slice %arg4[%add3A_67, %dma_start3A_70] : memref<8192x1024xf32, #tpu.memory_space<hbm>> -> memref<16x1024xf32, #tpu.memory_space<hbm>>
        tpu.enqueue_dma source(%arg10 : memref<16x1024xf32, #tpu.memory_space<vmem>>) target(%dma_start3A_71 : memref<16x1024xf32, #tpu.memory_space<hbm>>) target_semaphore(%run_scoped3A : memref<!tpu.dma_semaphore, #tpu.memory_space<semaphore_mem>>)
        %dma_wait3A_72 = arith.constant 0 : i32
        %dma_wait3A_73 = tpu.memref_slice %arg4[%add3A_67, %dma_wait3A_72] : memref<8192x1024xf32, #tpu.memory_space<hbm>> -> memref<16x1024xf32, #tpu.memory_space<hbm>>
        %dma_wait3A_74 = arith.constant 0 : i32
        %dma_wait3A_75 = tpu.memref_slice %arg4[%add3A_67, %dma_wait3A_74] : memref<8192x1024xf32, #tpu.memory_space<hbm>> -> memref<16x1024xf32, #tpu.memory_space<hbm>>
        tpu.wait_dma2 semaphore(%run_scoped3A : memref<!tpu.dma_semaphore, #tpu.memory_space<semaphore_mem>>) src(%arg10 : memref<16x1024xf32, #tpu.memory_space<vmem>>) dst(%dma_wait3A_75 : memref<16x1024xf32, #tpu.memory_space<hbm>>)
        tpu.yield
      }) : () -> ()
    }
    %scan3A_15 = arith.constant 16 : i32
    return
  }
}

module attributes {stable_mosaic.version = 14 : i64} {
  func.func @_gate_body(%arg0: i32, %arg1: memref<1024x1024xf32, #tpu.memory_space<vmem>>, %arg2: memref<1024x8xf32, #tpu.memory_space<vmem>>, %arg3: memref<1x4xf32, #tpu.memory_space<vmem>>, %arg4: memref<1x4xf32, #tpu.memory_space<vmem>>, %arg5: memref<1024x4xf32, #tpu.memory_space<vmem>>, %arg6: memref<4x1024xf32, #tpu.memory_space<vmem>>, %arg7: memref<4x1024xi32, #tpu.memory_space<vmem>>, %arg8: memref<1x1x4xi32, #tpu.memory_space<vmem>>) attributes {dimension_semantics = [#tpu.dimension_semantics<arbitrary>], iteration_bounds = array<i64: 8>, scalar_prefetch = 0 : i64, scratch_operands = 0 : i64, tpu.core_type = #tpu.core_type<tc>, window_params = [{transform_indices = @transform_0, window_bounds = array<i64: 1024, 1024>}, {pipeline_mode = #tpu.pipeline_mode<synchronous>, transform_indices = @transform_1, window_bounds = array<i64: 1024, 8>}, {pipeline_mode = #tpu.pipeline_mode<synchronous>, transform_indices = @transform_2, window_bounds = array<i64: 1, 4>}, {pipeline_mode = #tpu.pipeline_mode<synchronous>, transform_indices = @transform_3, window_bounds = array<i64: 1, 4>}, {transform_indices = @transform_4, window_bounds = array<i64: 1024, 4>}, {transform_indices = @transform_5, window_bounds = array<i64: 4, 1024>}, {transform_indices = @transform_6, window_bounds = array<i64: 4, 1024>}, {transform_indices = @transform_7, window_bounds = array<i64: 1, 1, 4>}]} {
    %get3A = arith.constant 0 : index
    %get3A_0 = arith.constant 0 : index
    %get3A_1 = vector.load %arg1[%get3A, %get3A_0] : memref<1024x1024xf32, #tpu.memory_space<vmem>>, vector<1024x1024xf32>
    %get3A_2 = arith.constant 0 : index
    %get3A_3 = arith.constant 0 : index
    %get3A_4 = vector.load %arg2[%get3A_2, %get3A_3] : memref<1024x8xf32, #tpu.memory_space<vmem>>, vector<1024x8xf32>
    %dot_general3A = arith.constant dense<0.000000e+00> : vector<1024x8xf32>
    %dot_general3A_5 = tpu.matmul %get3A_1, %get3A_4, %dot_general3A {dimension_numbers = #tpu.dot_dimension_numbers<[1], [0], [0], [1], [0, 0, 1, 1], [], []>, transpose_lhs_hint = false} : vector<1024x1024xf32>, vector<1024x8xf32>, vector<1024x8xf32> -> vector<1024x8xf32>
    %slice3A = vector.extract_strided_slice %dot_general3A_5 {offsets = [0, 0], sizes = [1024, 4], strides = [1, 1]} : vector<1024x8xf32> to vector<1024x4xf32>
    %slice3A_6 = vector.extract_strided_slice %dot_general3A_5 {offsets = [0, 4], sizes = [1024, 4], strides = [1, 1]} : vector<1024x8xf32> to vector<1024x4xf32>
    %custom_jvp_call3A = arith.constant 0.000000e+00 : f32
    %max3A = vector.broadcast %custom_jvp_call3A : f32 to vector<1024x4xf32>
    %max3A_7 = arith.maximumf %slice3A_6, %max3A : vector<1024x4xf32>
    %sub3A = vector.broadcast %custom_jvp_call3A : f32 to vector<1024x4xf32>
    %sub3A_8 = arith.subf %slice3A_6, %sub3A : vector<1024x4xf32>
    %ne3A = arith.cmpf one, %sub3A_8, %sub3A_8 : vector<1024x4xf32>
    %add3A = vector.broadcast %custom_jvp_call3A : f32 to vector<1024x4xf32>
    %add3A_9 = arith.addf %slice3A_6, %add3A : vector<1024x4xf32>
    %abs3A = math.absf %sub3A_8 : vector<1024x4xf32>
    %neg3A = arith.constant 0.000000e+00 : f32
    %neg3A_10 = vector.broadcast %neg3A : f32 to vector<1024x4xf32>
    %neg3A_11 = arith.subf %neg3A_10, %abs3A : vector<1024x4xf32>
    %exp3A = math.exp %neg3A_11 : vector<1024x4xf32>
    %log1p3A = math.log1p %exp3A : vector<1024x4xf32>
    %add3A_12 = arith.addf %max3A_7, %log1p3A : vector<1024x4xf32>
    %select_n3A = arith.select %ne3A, %add3A_9, %add3A_12 : vector<1024x4xi1>, vector<1024x4xf32>
    %add3A_13 = arith.constant 0.00999999977 : f32
    %add3A_14 = vector.broadcast %add3A_13 : f32 to vector<1024x4xf32>
    %add3A_15 = arith.addf %select_n3A, %add3A_14 : vector<1024x4xf32>
    %get3A_16 = arith.constant 0 : index
    %get3A_17 = arith.constant 0 : index
    %get3A_18 = vector.load %arg5[%get3A_16, %get3A_17] : memref<1024x4xf32, #tpu.memory_space<vmem>>, vector<1024x4xf32>
    %mul3A = arith.mulf %get3A_18, %add3A_15 : vector<1024x4xf32>
    %add3A_19 = arith.addf %slice3A, %mul3A : vector<1024x4xf32>
    %get3A_20 = arith.constant 0 : index
    %get3A_21 = arith.constant 0 : index
    %get3A_22 = vector.load %arg3[%get3A_20, %get3A_21] : memref<1x4xf32, #tpu.memory_space<vmem>>, vector<1x4xf32>
    %sub3A_23 = vector.broadcast %get3A_22 : vector<1x4xf32> to vector<1024x4xf32>
    %sub3A_24 = arith.subf %add3A_19, %sub3A_23 : vector<1024x4xf32>
    %sign3A = tpu.bitcast %sub3A_24 : vector<1024x4xf32> -> vector<1024x4xi32>
    %sign3A_25 = arith.constant -2147483648 : i32
    %sign3A_26 = vector.broadcast %sign3A_25 : i32 to vector<1024x4xi32>
    %sign3A_27 = arith.andi %sign3A, %sign3A_26 : vector<1024x4xi32>
    %sign3A_28 = arith.constant 1065353216 : i32
    %sign3A_29 = vector.broadcast %sign3A_28 : i32 to vector<1024x4xi32>
    %sign3A_30 = arith.ori %sign3A_29, %sign3A_27 : vector<1024x4xi32>
    %sign3A_31 = tpu.bitcast %sign3A_30 : vector<1024x4xi32> -> vector<1024x4xf32>
    %sign3A_32 = math.absf %sub3A_24 : vector<1024x4xf32>
    %sign3A_33 = arith.constant 0.000000e+00 : f32
    %sign3A_34 = vector.broadcast %sign3A_33 : f32 to vector<1024x4xf32>
    %sign3A_35 = arith.cmpf ogt, %sign3A_32, %sign3A_34 : vector<1024x4xf32>
    %sign3A_36 = arith.select %sign3A_35, %sign3A_31, %sub3A_24 : vector<1024x4xi1>, vector<1024x4xf32>
    %add3A_37 = arith.constant 1.000000e+00 : f32
    %add3A_38 = vector.broadcast %add3A_37 : f32 to vector<1024x4xf32>
    %add3A_39 = arith.addf %sign3A_36, %add3A_38 : vector<1024x4xf32>
    %mul3A_40 = arith.constant 5.000000e-01 : f32
    %mul3A_41 = vector.broadcast %mul3A_40 : f32 to vector<1024x4xf32>
    %mul3A_42 = arith.mulf %mul3A_41, %add3A_39 : vector<1024x4xf32>
    %get3A_43 = arith.constant 0 : index
    %get3A_44 = arith.constant 0 : index
    %get3A_45 = vector.load %arg4[%get3A_43, %get3A_44] : memref<1x4xf32, #tpu.memory_space<vmem>>, vector<1x4xf32>
    %mul3A_46 = vector.broadcast %get3A_45 : vector<1x4xf32> to vector<1024x4xf32>
    %mul3A_47 = arith.mulf %mul3A_42, %mul3A_46 : vector<1024x4xf32>
    %gt3A = arith.constant 0.000000e+00 : f32
    %gt3A_48 = vector.broadcast %gt3A : f32 to vector<1024x4xf32>
    %gt3A_49 = arith.cmpf ogt, %mul3A_47, %gt3A_48 : vector<1024x4xf32>
    %broadcast_in_dim3A = arith.constant -1.000000e+09 : f32
    %broadcast_in_dim3A_50 = vector.broadcast %broadcast_in_dim3A : f32 to vector<1024x4xf32>
    %select_n3A_51 = arith.select %gt3A_49, %slice3A, %broadcast_in_dim3A_50 : vector<1024x4xi1>, vector<1024x4xf32>
    %reduce_max3A = arith.constant dense<0xFF800000> : vector<1024xf32>
    %reduce_max3A_52 = vector.multi_reduction <maximumf>, %select_n3A_51, %reduce_max3A [1] : vector<1024x4xf32> to vector<1024xf32>
    %broadcast_in_dim3A_53 = vector.shape_cast %reduce_max3A_52 : vector<1024xf32> to vector<1024x1xf32>
    %sub3A_54 = vector.broadcast %broadcast_in_dim3A_53 : vector<1024x1xf32> to vector<1024x4xf32>
    %sub3A_55 = arith.subf %select_n3A_51, %sub3A_54 : vector<1024x4xf32>
    %exp3A_56 = math.exp %sub3A_55 : vector<1024x4xf32>
    %reduce_sum3A = arith.constant dense<0.000000e+00> : vector<1024xf32>
    %reduce_sum3A_57 = vector.multi_reduction <add>, %exp3A_56, %reduce_sum3A [1] : vector<1024x4xf32> to vector<1024xf32>
    %broadcast_in_dim3A_58 = vector.shape_cast %reduce_sum3A_57 : vector<1024xf32> to vector<1024x1xf32>
    %div3A = vector.broadcast %broadcast_in_dim3A_58 : vector<1024x1xf32> to vector<1024x4xf32>
    %div3A_59 = arith.divf %exp3A_56, %div3A : vector<1024x4xf32>
    %mul3A_60 = arith.mulf %div3A_59, %mul3A_47 : vector<1024x4xf32>
    %reduce_sum3A_61 = arith.constant dense<0.000000e+00> : vector<1024xf32>
    %reduce_sum3A_62 = vector.multi_reduction <add>, %mul3A_60, %reduce_sum3A_61 [1] : vector<1024x4xf32> to vector<1024xf32>
    %broadcast_in_dim3A_63 = vector.shape_cast %reduce_sum3A_62 : vector<1024xf32> to vector<1024x1xf32>
    %jit3A = arith.constant 9.99999971E-10 : f32
    %max3A_64 = vector.broadcast %jit3A : f32 to vector<1024x1xf32>
    %max3A_65 = arith.maximumf %max3A_64, %broadcast_in_dim3A_63 : vector<1024x1xf32>
    %div3A_66 = vector.broadcast %max3A_65 : vector<1024x1xf32> to vector<1024x4xf32>
    %div3A_67 = arith.divf %mul3A_60, %div3A_66 : vector<1024x4xf32>
    %transpose3A = tpu.transpose %div3A_67, [1, 0] : vector<1024x4xf32> -> vector<4x1024xf32>
    %swap3A = arith.constant 0 : index
    %swap3A_68 = arith.constant 0 : index
    %swap3A_69 = vector.load %arg6[%swap3A, %swap3A_68] : memref<4x1024xf32, #tpu.memory_space<vmem>>, vector<4x1024xf32>
    tpu.vector_store %arg6[%swap3A, %swap3A_68], %transpose3A {strides = array<i32>} : memref<4x1024xf32, #tpu.memory_space<vmem>>, vector<4x1024xf32>,
    %gt3A_70 = arith.constant 0.000000e+00 : f32
    %gt3A_71 = vector.broadcast %gt3A_70 : f32 to vector<1024x4xf32>
    %gt3A_72 = arith.cmpf ogt, %mul3A_47, %gt3A_71 : vector<1024x4xf32>
    %jit3A_73 = arith.constant 1.000000e+00 : f32
    %jit3A_74 = arith.constant 0.000000e+00 : f32
    %broadcast_in_dim3A_75 = vector.broadcast %jit3A_73 : f32 to vector<1024x4xf32>
    %broadcast_in_dim3A_76 = vector.broadcast %jit3A_74 : f32 to vector<1024x4xf32>
    %select_n3A_77 = arith.select %gt3A_72, %broadcast_in_dim3A_75, %broadcast_in_dim3A_76 : vector<1024x4xi1>, vector<1024x4xf32>
    %iota3A = tpu.iota {dimensions = array<i32: 0>} : vector<1024x1024xi32>
    %iota3A_78 = tpu.iota {dimensions = array<i32: 1>} : vector<1024x1024xi32>
    %ge3A = arith.cmpi sge, %iota3A, %iota3A_78 : vector<1024x1024xi32>
    %jit3A_79 = arith.constant 1.000000e+00 : f32
    %jit3A_80 = arith.constant 0.000000e+00 : f32
    %broadcast_in_dim3A_81 = vector.broadcast %jit3A_79 : f32 to vector<1024x1024xf32>
    %broadcast_in_dim3A_82 = vector.broadcast %jit3A_80 : f32 to vector<1024x1024xf32>
    %select_n3A_83 = arith.select %ge3A, %broadcast_in_dim3A_81, %broadcast_in_dim3A_82 : vector<1024x1024xi1>, vector<1024x1024xf32>
    %dot_general3A_84 = arith.constant dense<0.000000e+00> : vector<1024x4xf32>
    %dot_general3A_85 = tpu.matmul %select_n3A_83, %select_n3A_77, %dot_general3A_84 {dimension_numbers = #tpu.dot_dimension_numbers<[1], [0], [0], [1], [0, 0, 1, 1], [], []>, precision = #tpu.contract_precision<fp32>, transpose_lhs_hint = false} : vector<1024x1024xf32>, vector<1024x4xf32>, vector<1024x4xf32> -> vector<1024x4xf32>
    %sub3A_86 = arith.subf %dot_general3A_85, %select_n3A_77 : vector<1024x4xf32>
    %convert_element_type3A = arith.fptosi %sub3A_86 : vector<1024x4xf32> to vector<1024x4xi32>
    %iota3A_87 = tpu.iota {dimensions = array<i32: 1>} : vector<1024x4xi32>
    %mul3A_88 = arith.constant 8 : i32
    %mul3A_89 = vector.broadcast %mul3A_88 : i32 to vector<1024x4xi32>
    %mul3A_90 = arith.muli %iota3A_87, %mul3A_89 : vector<1024x4xi32>
    %add3A_91 = vector.broadcast %arg0 : i32 to vector<1024x4xi32>
    %add3A_92 = arith.addi %mul3A_90, %add3A_91 : vector<1024x4xi32>
    %mul3A_93 = arith.constant 1024 : i32
    %mul3A_94 = vector.broadcast %mul3A_93 : i32 to vector<1024x4xi32>
    %mul3A_95 = arith.muli %add3A_92, %mul3A_94 : vector<1024x4xi32>
    %gt3A_96 = arith.constant 0.000000e+00 : f32
    %gt3A_97 = vector.broadcast %gt3A_96 : f32 to vector<1024x4xf32>
    %gt3A_98 = arith.cmpf ogt, %mul3A_47, %gt3A_97 : vector<1024x4xf32>
    %add3A_99 = arith.addi %mul3A_95, %convert_element_type3A : vector<1024x4xi32>
    %jit3A_100 = arith.constant 32768 : i32
    %broadcast_in_dim3A_101 = vector.broadcast %jit3A_100 : i32 to vector<1024x4xi32>
    %select_n3A_102 = arith.select %gt3A_98, %add3A_99, %broadcast_in_dim3A_101 : vector<1024x4xi1>, vector<1024x4xi32>
    %transpose3A_103 = tpu.transpose %select_n3A_102, [1, 0] : vector<1024x4xi32> -> vector<4x1024xi32>
    %swap3A_104 = arith.constant 0 : index
    %swap3A_105 = arith.constant 0 : index
    %swap3A_106 = vector.load %arg7[%swap3A_104, %swap3A_105] : memref<4x1024xi32, #tpu.memory_space<vmem>>, vector<4x1024xi32>
    tpu.vector_store %arg7[%swap3A_104, %swap3A_105], %transpose3A_103 {strides = array<i32>} : memref<4x1024xi32, #tpu.memory_space<vmem>>, vector<4x1024xi32>,
    %slice3A_107 = vector.extract_strided_slice %dot_general3A_85 {offsets = [1023, 0], sizes = [1, 4], strides = [1, 1]} : vector<1024x4xf32> to vector<1x4xf32>
    %convert_element_type3A_108 = arith.fptosi %slice3A_107 : vector<1x4xf32> to vector<1x4xi32>
    %reshape3A = vector.shape_cast %convert_element_type3A_108 : vector<1x4xi32> to vector<1x1x4xi32>
    %swap3A_109 = arith.constant 0 : index
    %swap3A_110 = arith.constant 0 : index
    %swap3A_111 = arith.constant 0 : index
    %swap3A_112 = vector.load %arg8[%swap3A_109, %swap3A_110, %swap3A_111] : memref<1x1x4xi32, #tpu.memory_space<vmem>>, vector<1x1x4xi32>
    tpu.vector_store %arg8[%swap3A_109, %swap3A_110, %swap3A_111], %reshape3A {strides = array<i32>} : memref<1x1x4xi32, #tpu.memory_space<vmem>>, vector<1x1x4xi32>,
    return
  }
  func.func @transform_0(%arg0: i32) -> (i32, i32) {
    %c0_i32 = arith.constant 0 : i32
    %c0_i32_0 = arith.constant 0 : i32
    return %arg0, %c0_i32 : i32, i32
  }
  func.func @transform_1(%arg0: i32) -> (i32, i32) {
    %c0_i32 = arith.constant 0 : i32
    %c0_i32_0 = arith.constant 0 : i32
    %c0_i32_1 = arith.constant 0 : i32
    return %c0_i32, %c0_i32_0 : i32, i32
  }
  func.func @transform_2(%arg0: i32) -> (i32, i32) {
    %c0_i32 = arith.constant 0 : i32
    %c0_i32_0 = arith.constant 0 : i32
    %c0_i32_1 = arith.constant 0 : i32
    return %c0_i32, %c0_i32_0 : i32, i32
  }
  func.func @transform_3(%arg0: i32) -> (i32, i32) {
    %c0_i32 = arith.constant 0 : i32
    %c0_i32_0 = arith.constant 0 : i32
    %c0_i32_1 = arith.constant 0 : i32
    return %c0_i32, %c0_i32_0 : i32, i32
  }
  func.func @transform_4(%arg0: i32) -> (i32, i32) {
    %c0_i32 = arith.constant 0 : i32
    %c0_i32_0 = arith.constant 0 : i32
    return %arg0, %c0_i32 : i32, i32
  }
  func.func @transform_5(%arg0: i32) -> (i32, i32) {
    %c0_i32 = arith.constant 0 : i32
    %c0_i32_0 = arith.constant 0 : i32
    return %c0_i32, %arg0 : i32, i32
  }
  func.func @transform_6(%arg0: i32) -> (i32, i32) {
    %c0_i32 = arith.constant 0 : i32
    %c0_i32_0 = arith.constant 0 : i32
    return %c0_i32, %arg0 : i32, i32
  }
  func.func @transform_7(%arg0: i32) -> (i32, i32, i32) {
    %c0_i32 = arith.constant 0 : i32
    %c0_i32_0 = arith.constant 0 : i32
    %c0_i32_1 = arith.constant 0 : i32
    return %arg0, %c0_i32, %c0_i32_0 : i32, i32, i32
  }
}

module attributes {stable_mosaic.version = 14 : i64} {
  func.func @_ffn_body(%arg0: i32, %arg1: memref<32xi32, #tpu.memory_space<smem>>, %arg2: memref<256x1024xf32, #tpu.memory_space<vmem>>, %arg3: memref<256x1xf32, #tpu.memory_space<vmem>>, %arg4: memref<1x1024x1024xf32, #tpu.memory_space<vmem>>, %arg5: memref<1x1x1024xf32, #tpu.memory_space<vmem>>, %arg6: memref<1x1024x1024xf32, #tpu.memory_space<vmem>>, %arg7: memref<1x1x1024xf32, #tpu.memory_space<vmem>>, %arg8: memref<256x1024xf32, #tpu.memory_space<vmem>>) attributes {dimension_semantics = [#tpu.dimension_semantics<arbitrary>], iteration_bounds = array<i64: 129>, scalar_prefetch = 1 : i64, scratch_operands = 0 : i64, tpu.core_type = #tpu.core_type<tc>, window_params = [{transform_indices = @transform_0, window_bounds = array<i64: 256, 1024>}, {transform_indices = @transform_1, window_bounds = array<i64: 256, 1>}, {transform_indices = @transform_2, window_bounds = array<i64: 1, 1024, 1024>}, {transform_indices = @transform_3, window_bounds = array<i64: 1, 1, 1024>}, {transform_indices = @transform_4, window_bounds = array<i64: 1, 1024, 1024>}, {transform_indices = @transform_5, window_bounds = array<i64: 1, 1, 1024>}, {transform_indices = @transform_6, window_bounds = array<i64: 256, 1024>}]} {
    %eq3A = arith.constant 128 : i32
    %eq3A_0 = arith.cmpi eq, %arg0, %eq3A : i32
    %convert_element_type3A = arith.extui %eq3A_0 : i1 to i32
    %cond3A = arith.constant 0 : i32
    %cond3A_1 = arith.cmpi ne, %convert_element_type3A, %cond3A : i32
    scf.if %cond3A_1 {
      %broadcast_in_dim3A = arith.constant 0.000000e+00 : f32
      %broadcast_in_dim3A_6 = vector.broadcast %broadcast_in_dim3A : f32 to vector<256x1024xf32>
      %swap3A = arith.constant 0 : index
      %swap3A_7 = arith.constant 0 : index
      %swap3A_8 = vector.load %arg8[%swap3A, %swap3A_7] : memref<256x1024xf32, #tpu.memory_space<vmem>>, vector<256x1024xf32>
      tpu.vector_store %arg8[%swap3A, %swap3A_7], %broadcast_in_dim3A_6 {strides = array<i32>} : memref<256x1024xf32, #tpu.memory_space<vmem>>, vector<256x1024xf32>,
    } else {
    }
    %lt3A = arith.constant 128 : i32
    %lt3A_2 = arith.cmpi slt, %arg0, %lt3A : i32
    %convert_element_type3A_3 = arith.extui %lt3A_2 : i1 to i32
    %cond3A_4 = arith.constant 0 : i32
    %cond3A_5 = arith.cmpi ne, %convert_element_type3A_3, %cond3A_4 : i32
    scf.if %cond3A_5 {
      %jit3A = arith.constant 4 : i32
      %div3A = arith.divsi %arg0, %jit3A : i32
      %sign3A = arith.constant 0 : i32
      %sign3A_6 = arith.cmpi sgt, %arg0, %sign3A : i32
      %sign3A_7 = arith.extui %sign3A_6 : i1 to i32
      %sign3A_8 = arith.constant 0 : i32
      %sign3A_9 = arith.cmpi slt, %arg0, %sign3A_8 : i32
      %sign3A_10 = arith.extui %sign3A_9 : i1 to i32
      %sign3A_11 = arith.subi %sign3A_7, %sign3A_10 : i32
      %sign3A_12 = arith.constant 0 : i32
      %sign3A_13 = arith.cmpi sgt, %jit3A, %sign3A_12 : i32
      %sign3A_14 = arith.extui %sign3A_13 : i1 to i32
      %sign3A_15 = arith.constant 0 : i32
      %sign3A_16 = arith.cmpi slt, %jit3A, %sign3A_15 : i32
      %sign3A_17 = arith.extui %sign3A_16 : i1 to i32
      %sign3A_18 = arith.subi %sign3A_14, %sign3A_17 : i32
      %ne3A = arith.cmpi ne, %sign3A_11, %sign3A_18 : i32
      %rem3A = arith.remsi %arg0, %jit3A : i32
      %ne3A_19 = arith.constant 0 : i32
      %ne3A_20 = arith.cmpi ne, %rem3A, %ne3A_19 : i32
      %and3A = arith.andi %ne3A, %ne3A_20 : i1
      %sub3A = arith.constant 1 : i32
      %sub3A_21 = arith.subi %div3A, %sub3A : i32
      %select_n3A = arith.select %and3A, %sub3A_21, %div3A : i32
      %jit3A_22 = arith.constant 4 : i32
      %eq3A_23 = arith.constant 0 : i32
      %eq3A_24 = arith.cmpi eq, %jit3A_22, %eq3A_23 : i32
      %jit3A_25 = arith.constant 1 : i32
      %select_n3A_26 = arith.select %eq3A_24, %jit3A_25, %jit3A_22 : i32
      %rem3A_27 = arith.remsi %arg0, %select_n3A_26 : i32
      %ne3A_28 = arith.constant 0 : i32
      %ne3A_29 = arith.cmpi ne, %rem3A_27, %ne3A_28 : i32
      %lt3A_30 = arith.constant 0 : i32
      %lt3A_31 = arith.cmpi slt, %rem3A_27, %lt3A_30 : i32
      %lt3A_32 = arith.constant 0 : i32
      %lt3A_33 = arith.cmpi slt, %select_n3A_26, %lt3A_32 : i32
      %ne3A_34 = arith.xori %lt3A_31, %lt3A_33 : i1
      %and3A_35 = arith.andi %ne3A_34, %ne3A_29 : i1
      %add3A = arith.addi %rem3A_27, %select_n3A_26 : i32
      %select_n3A_36 = arith.select %and3A_35, %add3A, %rem3A_27 : i32
      %mul3A = arith.constant 256 : i32
      %mul3A_37 = arith.muli %select_n3A_36, %mul3A : i32
      %get3A = arith.index_cast %select_n3A : i32 to index
      %get3A_38 = memref.load %arg1[%get3A] : memref<32xi32, #tpu.memory_space<smem>>
      %lt3A_39 = arith.cmpi slt, %mul3A_37, %get3A_38 : i32
      %convert_element_type3A_40 = arith.extui %lt3A_39 : i1 to i32
      %cond3A_41 = arith.constant 0 : i32
      %cond3A_42 = arith.cmpi ne, %convert_element_type3A_40, %cond3A_41 : i32
      scf.if %cond3A_42 {
        %get3A_43 = arith.constant 0 : index
        %get3A_44 = arith.constant 0 : index
        %get3A_45 = vector.load %arg2[%get3A_43, %get3A_44] : memref<256x1024xf32, #tpu.memory_space<vmem>>, vector<256x1024xf32>
        %get3A_46 = arith.constant 0 : index
        %get3A_47 = arith.constant 0 : index
        %get3A_48 = vector.load %arg3[%get3A_46, %get3A_47] : memref<256x1xf32, #tpu.memory_space<vmem>>, vector<256x1xf32>
        %get3A_49 = arith.constant 0 : index
        %get3A_50 = arith.constant 0 : index
        %get3A_51 = arith.constant 0 : index
        %get3A_52 = vector.load %arg4[%get3A_49, %get3A_50, %get3A_51] : memref<1x1024x1024xf32, #tpu.memory_space<vmem>>, vector<1x1024x1024xf32>
        %get3A_53 = vector.shape_cast %get3A_52 : vector<1x1024x1024xf32> to vector<1024x1024xf32>
        %dot_general3A = arith.constant dense<0.000000e+00> : vector<256x1024xf32>
        %dot_general3A_54 = tpu.matmul %get3A_45, %get3A_53, %dot_general3A {dimension_numbers = #tpu.dot_dimension_numbers<[1], [0], [0], [1], [0, 0, 1, 1], [], []>, transpose_lhs_hint = false} : vector<256x1024xf32>, vector<1024x1024xf32>, vector<256x1024xf32> -> vector<256x1024xf32>
        %get3A_55 = arith.constant 0 : index
        %get3A_56 = arith.constant 0 : index
        %get3A_57 = arith.constant 0 : index
        %get3A_58 = vector.load %arg5[%get3A_55, %get3A_56, %get3A_57] : memref<1x1x1024xf32, #tpu.memory_space<vmem>>, vector<1x1x1024xf32>
        %get3A_59 = vector.shape_cast %get3A_58 : vector<1x1x1024xf32> to vector<1x1024xf32>
        %add3A_60 = vector.broadcast %get3A_59 : vector<1x1024xf32> to vector<256x1024xf32>
        %add3A_61 = arith.addf %dot_general3A_54, %add3A_60 : vector<256x1024xf32>
        %max3A = arith.constant 0.000000e+00 : f32
        %max3A_62 = vector.broadcast %max3A : f32 to vector<256x1024xf32>
        %max3A_63 = arith.maximumf %add3A_61, %max3A_62 : vector<256x1024xf32>
        %mul3A_64 = vector.broadcast %get3A_48 : vector<256x1xf32> to vector<256x1024xf32>
        %mul3A_65 = arith.mulf %max3A_63, %mul3A_64 : vector<256x1024xf32>
        %get3A_66 = arith.constant 0 : index
        %get3A_67 = arith.constant 0 : index
        %get3A_68 = arith.constant 0 : index
        %get3A_69 = vector.load %arg6[%get3A_66, %get3A_67, %get3A_68] : memref<1x1024x1024xf32, #tpu.memory_space<vmem>>, vector<1x1024x1024xf32>
        %get3A_70 = vector.shape_cast %get3A_69 : vector<1x1024x1024xf32> to vector<1024x1024xf32>
        %dot_general3A_71 = arith.constant dense<0.000000e+00> : vector<256x1024xf32>
        %dot_general3A_72 = tpu.matmul %mul3A_65, %get3A_70, %dot_general3A_71 {dimension_numbers = #tpu.dot_dimension_numbers<[1], [0], [0], [1], [0, 0, 1, 1], [], []>, transpose_lhs_hint = false} : vector<256x1024xf32>, vector<1024x1024xf32>, vector<256x1024xf32> -> vector<256x1024xf32>
        %get3A_73 = arith.constant 0 : index
        %get3A_74 = arith.constant 0 : index
        %get3A_75 = arith.constant 0 : index
        %get3A_76 = vector.load %arg7[%get3A_73, %get3A_74, %get3A_75] : memref<1x1x1024xf32, #tpu.memory_space<vmem>>, vector<1x1x1024xf32>
        %get3A_77 = vector.shape_cast %get3A_76 : vector<1x1x1024xf32> to vector<1x1024xf32>
        %mul3A_78 = vector.broadcast %get3A_48 : vector<256x1xf32> to vector<256x1024xf32>
        %mul3A_79 = vector.broadcast %get3A_77 : vector<1x1024xf32> to vector<256x1024xf32>
        %mul3A_80 = arith.mulf %mul3A_78, %mul3A_79 : vector<256x1024xf32>
        %add3A_81 = arith.addf %dot_general3A_72, %mul3A_80 : vector<256x1024xf32>
        %swap3A = arith.constant 0 : index
        %swap3A_82 = arith.constant 0 : index
        %swap3A_83 = vector.load %arg8[%swap3A, %swap3A_82] : memref<256x1024xf32, #tpu.memory_space<vmem>>, vector<256x1024xf32>
        tpu.vector_store %arg8[%swap3A, %swap3A_82], %add3A_81 {strides = array<i32>} : memref<256x1024xf32, #tpu.memory_space<vmem>>, vector<256x1024xf32>,
      } else {
      }
    } else {
    }
    return
  }
  func.func @transform_0(%arg0: i32, %arg1: memref<32xi32, #tpu.memory_space<smem>>) -> (i32, i32) {
    %min3A = arith.constant 127 : i32
    %min3A_0 = arith.minsi %arg0, %min3A : i32
    %c0_i32 = arith.constant 0 : i32
    %c0_i32_1 = arith.constant 0 : i32
    return %min3A_0, %c0_i32 : i32, i32
  }
  func.func @transform_1(%arg0: i32, %arg1: memref<32xi32, #tpu.memory_space<smem>>) -> (i32, i32) {
    %min3A = arith.constant 127 : i32
    %min3A_0 = arith.minsi %arg0, %min3A : i32
    %c0_i32 = arith.constant 0 : i32
    %c0_i32_1 = arith.constant 0 : i32
    return %min3A_0, %c0_i32 : i32, i32
  }
  func.func @transform_2(%arg0: i32, %arg1: memref<32xi32, #tpu.memory_space<smem>>) -> (i32, i32, i32) {
    %jit3A = arith.constant 32 : i32
    %div3A = arith.divsi %arg0, %jit3A : i32
    %sign3A = arith.constant 0 : i32
    %sign3A_0 = arith.cmpi sgt, %arg0, %sign3A : i32
    %sign3A_1 = arith.extui %sign3A_0 : i1 to i32
    %sign3A_2 = arith.constant 0 : i32
    %sign3A_3 = arith.cmpi slt, %arg0, %sign3A_2 : i32
    %sign3A_4 = arith.extui %sign3A_3 : i1 to i32
    %sign3A_5 = arith.subi %sign3A_1, %sign3A_4 : i32
    %sign3A_6 = arith.constant 0 : i32
    %sign3A_7 = arith.cmpi sgt, %jit3A, %sign3A_6 : i32
    %sign3A_8 = arith.extui %sign3A_7 : i1 to i32
    %sign3A_9 = arith.constant 0 : i32
    %sign3A_10 = arith.cmpi slt, %jit3A, %sign3A_9 : i32
    %sign3A_11 = arith.extui %sign3A_10 : i1 to i32
    %sign3A_12 = arith.subi %sign3A_8, %sign3A_11 : i32
    %ne3A = arith.cmpi ne, %sign3A_5, %sign3A_12 : i32
    %rem3A = arith.remsi %arg0, %jit3A : i32
    %ne3A_13 = arith.constant 0 : i32
    %ne3A_14 = arith.cmpi ne, %rem3A, %ne3A_13 : i32
    %and3A = arith.andi %ne3A, %ne3A_14 : i1
    %sub3A = arith.constant 1 : i32
    %sub3A_15 = arith.subi %div3A, %sub3A : i32
    %select_n3A = arith.select %and3A, %sub3A_15, %div3A : i32
    %min3A = arith.constant 3 : i32
    %min3A_16 = arith.minsi %select_n3A, %min3A : i32
    %c0_i32 = arith.constant 0 : i32
    %c0_i32_17 = arith.constant 0 : i32
    %c0_i32_18 = arith.constant 0 : i32
    return %min3A_16, %c0_i32, %c0_i32_17 : i32, i32, i32
  }
  func.func @transform_3(%arg0: i32, %arg1: memref<32xi32, #tpu.memory_space<smem>>) -> (i32, i32, i32) {
    %jit3A = arith.constant 32 : i32
    %div3A = arith.divsi %arg0, %jit3A : i32
    %sign3A = arith.constant 0 : i32
    %sign3A_0 = arith.cmpi sgt, %arg0, %sign3A : i32
    %sign3A_1 = arith.extui %sign3A_0 : i1 to i32
    %sign3A_2 = arith.constant 0 : i32
    %sign3A_3 = arith.cmpi slt, %arg0, %sign3A_2 : i32
    %sign3A_4 = arith.extui %sign3A_3 : i1 to i32
    %sign3A_5 = arith.subi %sign3A_1, %sign3A_4 : i32
    %sign3A_6 = arith.constant 0 : i32
    %sign3A_7 = arith.cmpi sgt, %jit3A, %sign3A_6 : i32
    %sign3A_8 = arith.extui %sign3A_7 : i1 to i32
    %sign3A_9 = arith.constant 0 : i32
    %sign3A_10 = arith.cmpi slt, %jit3A, %sign3A_9 : i32
    %sign3A_11 = arith.extui %sign3A_10 : i1 to i32
    %sign3A_12 = arith.subi %sign3A_8, %sign3A_11 : i32
    %ne3A = arith.cmpi ne, %sign3A_5, %sign3A_12 : i32
    %rem3A = arith.remsi %arg0, %jit3A : i32
    %ne3A_13 = arith.constant 0 : i32
    %ne3A_14 = arith.cmpi ne, %rem3A, %ne3A_13 : i32
    %and3A = arith.andi %ne3A, %ne3A_14 : i1
    %sub3A = arith.constant 1 : i32
    %sub3A_15 = arith.subi %div3A, %sub3A : i32
    %select_n3A = arith.select %and3A, %sub3A_15, %div3A : i32
    %min3A = arith.constant 3 : i32
    %min3A_16 = arith.minsi %select_n3A, %min3A : i32
    %c0_i32 = arith.constant 0 : i32
    %c0_i32_17 = arith.constant 0 : i32
    %c0_i32_18 = arith.constant 0 : i32
    return %min3A_16, %c0_i32, %c0_i32_17 : i32, i32, i32
  }
  func.func @transform_4(%arg0: i32, %arg1: memref<32xi32, #tpu.memory_space<smem>>) -> (i32, i32, i32) {
    %jit3A = arith.constant 32 : i32
    %div3A = arith.divsi %arg0, %jit3A : i32
    %sign3A = arith.constant 0 : i32
    %sign3A_0 = arith.cmpi sgt, %arg0, %sign3A : i32
    %sign3A_1 = arith.extui %sign3A_0 : i1 to i32
    %sign3A_2 = arith.constant 0 : i32
    %sign3A_3 = arith.cmpi slt, %arg0, %sign3A_2 : i32
    %sign3A_4 = arith.extui %sign3A_3 : i1 to i32
    %sign3A_5 = arith.subi %sign3A_1, %sign3A_4 : i32
    %sign3A_6 = arith.constant 0 : i32
    %sign3A_7 = arith.cmpi sgt, %jit3A, %sign3A_6 : i32
    %sign3A_8 = arith.extui %sign3A_7 : i1 to i32
    %sign3A_9 = arith.constant 0 : i32
    %sign3A_10 = arith.cmpi slt, %jit3A, %sign3A_9 : i32
    %sign3A_11 = arith.extui %sign3A_10 : i1 to i32
    %sign3A_12 = arith.subi %sign3A_8, %sign3A_11 : i32
    %ne3A = arith.cmpi ne, %sign3A_5, %sign3A_12 : i32
    %rem3A = arith.remsi %arg0, %jit3A : i32
    %ne3A_13 = arith.constant 0 : i32
    %ne3A_14 = arith.cmpi ne, %rem3A, %ne3A_13 : i32
    %and3A = arith.andi %ne3A, %ne3A_14 : i1
    %sub3A = arith.constant 1 : i32
    %sub3A_15 = arith.subi %div3A, %sub3A : i32
    %select_n3A = arith.select %and3A, %sub3A_15, %div3A : i32
    %min3A = arith.constant 3 : i32
    %min3A_16 = arith.minsi %select_n3A, %min3A : i32
    %c0_i32 = arith.constant 0 : i32
    %c0_i32_17 = arith.constant 0 : i32
    %c0_i32_18 = arith.constant 0 : i32
    return %min3A_16, %c0_i32, %c0_i32_17 : i32, i32, i32
  }
  func.func @transform_5(%arg0: i32, %arg1: memref<32xi32, #tpu.memory_space<smem>>) -> (i32, i32, i32) {
    %jit3A = arith.constant 32 : i32
    %div3A = arith.divsi %arg0, %jit3A : i32
    %sign3A = arith.constant 0 : i32
    %sign3A_0 = arith.cmpi sgt, %arg0, %sign3A : i32
    %sign3A_1 = arith.extui %sign3A_0 : i1 to i32
    %sign3A_2 = arith.constant 0 : i32
    %sign3A_3 = arith.cmpi slt, %arg0, %sign3A_2 : i32
    %sign3A_4 = arith.extui %sign3A_3 : i1 to i32
    %sign3A_5 = arith.subi %sign3A_1, %sign3A_4 : i32
    %sign3A_6 = arith.constant 0 : i32
    %sign3A_7 = arith.cmpi sgt, %jit3A, %sign3A_6 : i32
    %sign3A_8 = arith.extui %sign3A_7 : i1 to i32
    %sign3A_9 = arith.constant 0 : i32
    %sign3A_10 = arith.cmpi slt, %jit3A, %sign3A_9 : i32
    %sign3A_11 = arith.extui %sign3A_10 : i1 to i32
    %sign3A_12 = arith.subi %sign3A_8, %sign3A_11 : i32
    %ne3A = arith.cmpi ne, %sign3A_5, %sign3A_12 : i32
    %rem3A = arith.remsi %arg0, %jit3A : i32
    %ne3A_13 = arith.constant 0 : i32
    %ne3A_14 = arith.cmpi ne, %rem3A, %ne3A_13 : i32
    %and3A = arith.andi %ne3A, %ne3A_14 : i1
    %sub3A = arith.constant 1 : i32
    %sub3A_15 = arith.subi %div3A, %sub3A : i32
    %select_n3A = arith.select %and3A, %sub3A_15, %div3A : i32
    %min3A = arith.constant 3 : i32
    %min3A_16 = arith.minsi %select_n3A, %min3A : i32
    %c0_i32 = arith.constant 0 : i32
    %c0_i32_17 = arith.constant 0 : i32
    %c0_i32_18 = arith.constant 0 : i32
    return %min3A_16, %c0_i32, %c0_i32_17 : i32, i32, i32
  }
  func.func @transform_6(%arg0: i32, %arg1: memref<32xi32, #tpu.memory_space<smem>>) -> (i32, i32) {
    %c0_i32 = arith.constant 0 : i32
    %c0_i32_0 = arith.constant 0 : i32
    return %arg0, %c0_i32 : i32, i32
  }
}

</mosaic_0001>

<sc_bundles>
// kernel: kernel.6.cloned.1.call-start
scs
__scs_entry_jumppad:
0x0: {  	(pc) =	sbr.rel $0x88, $3  }
0x1: {  	(tag) =	ssettag $0x0;
	lr =	simm.s32 $0x1  }
0x2: {  	[smem:$0x3F97] =	sst lr;
	_ =	strace $0xD0000000  }
0x3: {  	_ = 	snop  }
0x4: {  	_ = 	snop  }
0x5: {  	_ = 	snop  }
0x6: {  	_ = 	snop  }
0x7: {  	_ = 	snop  }
__scs_overlays_trampoline_lowered:
0x8: {  	[smem:$0x3FA6] =	sst s0  }
0x9: {  	[smem:$0x3FA7] =	sst s1  }
0xa: {  	[smem:$0x3FA8] =	sst s2  }
0xb: {  	[smem:$0x3FA9] =	sst s3  }
0xc: {  	[smem:$0x3FAA] =	sst s4  }
0xd: {  	[smem:$0x3FAB] =	sst s5  }
0xe: {  	[smem:$0x3FAC] =	sst s6  }
0xf: {  	[smem:$0x3FAD] =	sst s7  }
0x10: {  	[smem:$0x3FAE] =	sst s8  }
0x11: {  	[smem:$0x3FAF] =	sst s9;
	s0 =	simm.s32 @!p0 $0x0  }
0x12: {  	s1 =	sld [smem:$0x3F95];
	s0 =	simm.s32 @p0 $0x1  }
0x13: {  	[smem:$0x3FB0] =	sst s0;
	s0 =	simm.s32 @!p1 $0x0  }
0x14: {  	s2 =	sld [smem:$0x3F94];
	s0 =	simm.s32 @p1 $0x1  }
0x15: {  	[smem:$0x3FB1] =	sst s0;
	s0 =	simm.s32 @!p2 $0x0  }
0x16: {  	s3 =	sld [smem:$0x3FDB];
	s0 =	simm.s32 @p2 $0x1  }
0x17: {  	s4 =	simm.s32 $0x1BF5;
	[smem:$0x3FB3] =	sst s0  }
0x18: {  	s0 =	sld [smem:$0x3F96];
	_ =	swait.ge [sflag:s4], $0x0  }
0x19: {  	s7 =	sld [smem:$0x3F97]  }
0x1a: {  	s8 =	sadd.s32 $0xFFFFE003, lr  }
0x1b: {  	s9 =	sadd.s32 $0xFFFFFEF7, lr;
	s5 =	simm.s32 $0xFFFFFFFF;
	p2 =	slt.u32 s8, $0xFFFFF086  }
0x1c: {  	p1 =	slt.u32 s9, $0xF7A;
	s5 =	simm.s32 @!p2 $0x0  }
0x1d: {  	s5 =	simm.s32 @p1 $0x1;
	p0 =	seq.s32 s7, s2  }
0x1e: {  	s7 =	smul.u32 @!p0 $0xF7A, s2;
	p2 =	seq.s32 @!p0 s5, $0x0  }
0x1f: {  	s9 =	smul.u32 $0xF7A, s1;
	s8 =	simm.s32 @!p0 $0x1BF5;
	p2 =	por !p2, p0  }
0x20: {  	[sflag:s8] =	ssyncset.s32 @!p0 $0xFFFFF086;
	s6 =	sadd.s32 @!p0 s3, s7;
	s7 =	simm.s32 @!p0 $0x108  }
0x21: {  	s3 =	sadd.s32 s3, s9;
	s6 =	sadd.s32 @!p0 $0x88, s6;
	s7 =	simm.s32 @p2 $0x1082  }
0x22: {  	[simem:s7], [sflag:s8] =	dma.local @!p0 [hbm:s6], $0xF7A  }
0x23: {  	s9 =	sor.u32 $0xD0000000, s2;
	s6 =	simm.s32 $0x108;
	_ =	swait.ge @!p0 [sflag:s8], $0x0  }
0x24: {  	s3 =	sadd.s32 $0x88, s3;
	s6 =	simm.s32 @!p1 $0x1082;
	[sflag:s4] =	ssyncset.s32 $0xFFFFF086  }
0x25: {  	[simem:s6], [sflag:s4] =	dma.local [hbm:s3], $0xF7A  }
0x26: {  	[smem:$0x3F97] =	sst s1;
	(tag) =	ssettag s2;
	_ =	strace s9  }
0x27: {  	s1 =	sld [smem:$0x3FA7]  }
0x28: {  	s2 =	sld [smem:$0x3FA8]  }
0x29: {  	s4 =	sld [smem:$0x3FAA]  }
0x2a: {  	p0 =	seq.s32 s5, $0x0;
	s5 =	sld [smem:$0x3FAB]  }
0x2b: {  	s6 =	sld [smem:$0x3FAC]  }
0x2c: {  	s7 =	sld [smem:$0x3FAD]  }
0x2d: {  	s3 =	simm.s32 $0x108;
	s8 =	sld [smem:$0x3FAE]  }
0x2e: {  	s3 =	simm.s32 @!p0 $0x1082;
	s9 =	sld [smem:$0x3FAF]  }
0x2f: {  	lr =	sadd.s32 s0, s3;
	s0 =	sld [smem:$0x3FA6]  }
0x30: {  	s3 =	sld [smem:$0x3FA9]  }
0x31: {  	[smem:$0x3FB2] =	sst s10  }
0x32: {  	s10 =	sld [smem:$0x3FB0];
	_ =	sdelay $0x3  }
0x33: {  	p0 =	seq.s32 s10, $0x1;
	s10 =	sld [smem:$0x3FB2];
	_ =	sdelay $0x3  }
0x34: {  	[smem:$0x3FB2] =	sst s10  }
0x35: {  	s10 =	sld [smem:$0x3FB1];
	_ =	sdelay $0x3  }
0x36: {  	p1 =	seq.s32 s10, $0x1;
	s10 =	sld [smem:$0x3FB2];
	_ =	sdelay $0x3  }
0x37: {  	[smem:$0x3FB2] =	sst s10  }
0x38: {  	s10 =	sld [smem:$0x3FB3]  }
0x39: {  	_ = 	snop;
	(pc) =	sbr.ind lr, $3  }
0x3a: {  	_ = 	snop  }
0x3b: {  	_ = 	snop  }
0x3c: {  	p2 =	seq.s32 s10, $0x1;
	s10 =	sld [smem:$0x3FB2]  }
0x3d: {  	_ =	shalt  }
0x3e: {  	_ =	shalt  }
0x3f: {  	_ =	shalt  }
0x40: {  	_ =	shalt  }
0x41: {  	_ =	shalt  }
0x42: {  	_ =	shalt  }
0x43: {  	_ =	shalt  }
0x44: {  	_ =	shalt  }
0x45: {  	_ =	shalt  }
0x46: {  	_ =	shalt  }
0x47: {  	_ =	shalt  }
0x48: {  	_ =	shalt  }
0x49: {  	_ =	shalt  }
0x4a: {  	_ =	shalt  }
0x4b: {  	_ =	shalt  }
0x4c: {  	_ =	shalt  }
0x4d: {  	_ =	shalt  }
0x4e: {  	_ =	shalt  }
0x4f: {  	_ =	shalt  }
0x50: {  	_ =	shalt  }
0x51: {  	_ =	shalt  }
0x52: {  	_ =	shalt  }
0x53: {  	_ =	shalt  }
0x54: {  	_ =	shalt  }
0x55: {  	_ =	shalt  }
0x56: {  	_ =	shalt  }
0x57: {  	_ =	shalt  }
0x58: {  	_ =	shalt  }
0x59: {  	_ =	shalt  }
0x5a: {  	_ =	shalt  }
0x5b: {  	_ =	shalt  }
0x5c: {  	_ =	shalt  }
0x5d: {  	_ =	shalt  }
0x5e: {  	_ =	shalt  }
0x5f: {  	_ =	shalt  }
0x60: {  	_ =	shalt  }
0x61: {  	_ =	shalt  }
0x62: {  	_ =	shalt  }
0x63: {  	_ =	shalt  }
0x64: {  	_ =	shalt  }
0x65: {  	_ =	shalt  }
0x66: {  	_ =	shalt  }
0x67: {  	_ =	shalt  }
0x68: {  	_ =	shalt  }
0x69: {  	_ =	shalt  }
0x6a: {  	_ =	shalt  }
0x6b: {  	_ =	shalt  }
0x6c: {  	_ =	shalt  }
0x6d: {  	_ =	shalt  }
0x6e: {  	_ =	shalt  }
0x6f: {  	_ =	shalt  }
0x70: {  	_ =	shalt  }
0x71: {  	_ =	shalt  }
0x72: {  	_ =	shalt  }
0x73: {  	_ =	shalt  }
0x74: {  	_ =	shalt  }
0x75: {  	_ =	shalt  }
0x76: {  	_ =	shalt  }
0x77: {  	_ =	shalt  }
0x78: {  	_ =	shalt  }
0x79: {  	_ =	shalt  }
0x7a: {  	_ =	shalt  }
0x7b: {  	_ =	shalt  }
0x7c: {  	_ =	shalt  }
0x7d: {  	_ =	shalt  }
0x7e: {  	_ =	shalt  }
0x7f: {  	_ =	shalt  }
0x80: {  	_ =	shalt  }
0x81: {  	_ =	shalt  }
0x82: {  	_ =	shalt  }
0x83: {  	_ =	shalt  }
0x84: {  	_ =	shalt  }
0x85: {  	_ =	shalt  }
0x86: {  	_ =	shalt  }
0x87: {  	_ =	shalt  }
.Lfunc_end0:
.L_simem_size_0:
called_computation_lowered:
.L_overlay_start_0:
0x88: {  	s2 =	sld [smem:$0x3FD9]  }
0x89: {  	s3 =	sld [smem:$0x3FFE];
	_ =	sdelay $0x1  }
0x8a: {  	s1 =	srdreg.scid  }
0x8b: {  	s0 =	sand.u32 $0x1, s1  }
0x8c: {  	s17 =	sshll.u32 s0, $0xA;
	s2 =	sadd.s32 s3, s2  }
0x8d: {  	s2 =	sadd.s32 s2, s17  }
0x8e: {  	[smem:$0x3FBE] =	sst s2  }
0x8f: {  	_ = 	snop  }
0x90: {  	s2 =	sld [smem:$0x3FC9]  }
0x91: {  	s18 =	sld [smem:$0x3FD0];
	(tm) =	ssettm $0x1  }
0x92: {  	s4 =	sld [smem:$0x3FFB];
	_ =	sdelay $0x3  }
0x93: {  	_ =	strace s4  }
0x94: {  	s4 =	sld [smem:$0x3FFC];
	_ =	sdelay $0x3  }
0x95: {  	_ =	strace s4  }
0x96: {  	s4 =	sld [smem:$0x3FFD];
	_ =	sdelay $0x3  }
0x97: {  	_ =	strace s4  }
0x98: {  	_ =	strace $0x8FFFFFFF  }
0x99: {  	s19 =	sld [smem:$0x3FDB];
	_ =	sdelay $0x1  }
0x9a: {  	s5 =	simm.s32 $_scs_section_size  }
0x9b: {  	s6 =	simm.s32 $_size__tile_overlayer_lowered;
	s7 =	simm.s32 $_tile_overlayer_lowered  }
0x9c: {  	s22 =	simm.s32 $0x1BFF;
	s21 =	sshll.u32 s7, $0x1;
	s4 =	sadd.s32 s5, s19  }
0x9d: {  	s8 =	simm.s32 $0x0;
	s20 =	sshll.u32 s6, $0x1;
	s6 =	sadd.s32 s21, s4  }
0x9e: {  	[timem:s8], [sflag:s22] =	dma.local [hbm:s6], s20  }
0x9f: {  	_ =	swait.ge [sflag:s22], s20  }
0xa0: {  	s5 =	ssub.s32 $0x0, s20;
	[sflag:s22] =	ssyncset.done $0x0  }
0xa1: {  	[sflag:s22] =	ssyncadd.s32 s5;
	_ =	sdelay $0x1  }
0xa2: {  	s23 =	simm.s32 $0x1B8B  }
0xa3: {  	_ =	swait.ge [sflag:s23], $0x1  }
0xa4: {  	[sflag:s23] =	ssyncset.done $0x0  }
0xa5: {  	s25 =	simm.s32 $0x1B8E;
	s24 =	sld [smem:$0x3FFE];
	[sflag:s23] =	ssyncadd.s32 $0xFFFFFFFF  }
0xa6: {  	s26 =	simm.s32 $execute0_lowered;
	[smem:$0x3FD2] =	sst s25  }
0xa7: {  	s6 =	sshll.u32 s26, $0x1;
	_ =	strace $0x80000046;
	[dreg:$0x1] =	wrdreg $0xFFFFFFFF  }
0xa8: {  	s28 =	simm.s32 $_size_execute0_lowered;
	s4 =	sadd.s32 s4, s6;
	[dreg:$0x0] =	wrdreg $0x0  }
0xa9: {  	s6 =	sshll.u32 s28, $0x1;
	[dreg:$0x2] =	wrdreg s4  }
0xaa: {  	[dreg:$0x3] =	wrdreg s6  }
0xab: {  	[dreg:$0x4] =	wrdreg $0xC0  }
0xac: {  	_ =	task [dreg:s8], $0x5FFFF  }
0xad: {  	[dreg:$0x1] =	wrdreg $0xFFFFFFFF  }
0xae: {  	[dreg:$0x0] =	wrdreg $0x60  }
0xaf: {  	[dreg:$0x2] =	wrdreg s24  }
0xb0: {  	[dreg:$0x3] =	wrdreg s18  }
0xb1: {  	[dreg:$0x4] =	wrdreg s2  }
0xb2: {  	[dreg:$0x5] =	wrdreg $0x9  }
0xb3: {  	_ =	task.clear_ibuf [dreg:s8], $0x6FFFF;
	_ =	strace $0x90000046  }
0xb4: {  	s29 =	simm.s32 $0x9;
	_ =	strace $0x80000048  }
0xb5: {  	_ =	swait.ge [sflag:s29], $0x1  }
0xb6: {  	[sflag:s29] =	ssyncadd.s32 $0xFFFFFFFF  }
0xb7: {  	_ =	strace $0x90000048  }
0xb8: {  	_ =	sfence  }
0xb9: {  	s30 =	sld [smem:$0x0];
	_ =	sdelay $0x2  }
0xba: {  	s31 =	sshll.u32 s1, $0xD;
	s1 =	sshrl.u32 s1, $0x2  }
0xbb: {  	s3 =	sand.u32 $0x4000, s31;
	s1 =	sadd.s32 s1, s30  }
0xbc: {  	s0 =	sor.u32 s3, s0;
	s1 =	sshll.u32 s1, $0x11  }
0xbd: {  	s0 =	sor.u32 s1, s0  }
0xbe: {  	s0 =	sadd.s32 $0x8F2B, s0  }
0xbf: {  	[sflag:s0] =	ssyncadd.remote.s32 $0x1  }
0xc0: {  	_ =	sfence.sel $0xFFFF  }
0xc1: {  	[dreg:$0x0] =	wrdreg $0xFFFFFFFF;
	(pc) =	sbr.abs _section_cstart, $3  }
0xc2: {  	[dreg:$0x1] =	wrdreg $0xFFFFFFFF  }
0xc3: {  	_ =	task.clear_ibuf [dreg:s8], $0x2FFFF;
	_ =	strace $0x9FFFFFFF  }
0xc4: {  	(tm) =	ssettm $0x7FFFFFFF  }
0xc5: {  	_ =	shalt  }
tec
execute0_lowered:
.L_overlay_start_1:
0x0: {  	(tag) =	ssettag $0x1  }
0x1: {  	s0 =	rddreg [dreg:$0x0]  }
0x2: {  	s1 =	rddreg [dreg:$0x1]  }
0x3: {  	s2 =	rddreg [dreg:$0x2];
	s3 =	srdreg.scid  }
0x4: {  	s5 =	stileid.u32;
	s13 =	simm.s32 $0x2;
	s15 =	simm.s32 $0x800  }
0x5: {  	s16 =	simm.s32 $0xC80;
	s17 =	simm.s32 $0x1;
	s18 =	simm.s32 $0x1100  }
0x6: {  	s19 =	simm.s32 $0x1900;
	s28 =	simm.s32 $0x5900;
	s29 =	simm.s32 $0x6100  }
0x7: {  	s30 =	simm.s32 $0x6900;
	s31 =	simm.s32 $0x7100;
	s14 =	simm.s32 $0x8900  }
0x8: {  	s4 =	sand.u32 $0x1, s3;
	s5 =	sshll.u32 s5, $0xA;
	s3 =	simm.s32 $0x0  }
0x9: {  	s9 =	sadd.s32 $0x200, s2;
	s10 =	sadd.s32 $0x300, s2;
	s6 =	sshll.u32 s4, $0xE  }
0xa: {  	s7 =	sand.u32 $0x2000, s5;
	[smem:$0x7FF] =	sst s3;
	s8 =	sand.u32 $0x1C00, s5  }
0xb: {  	s4 =	ssub.s32 $0x2, s4;
	s20 =	sor.u32 s6, s7;
	_ =	strace $0x80000047  }
0xc: {  	[dreg:$0x4] =	wrdreg s8;
	s23 =	sshrl.u32 s4, $0x1;
	s5 =	sor.u32 s8, s20  }
0xd: {  	s4 =	ssub.s32 s4, s23;
	s8 =	sadd.s32 $0x100, s2;
	s20 =	simm.s32 $0x2100  }
0xe: {  	s23 =	simm.s32 $0x3900;
	s21 =	sshll.u32 s5, $0x7;
	s22 =	sshrl.u32 s5, $0x3  }
0xf: {  	s25 =	smax.u32 s4, $0x1;
	v0 =	vmov s5;
	s5 =	simm.s32 $0x0;
	s6 =	sadd.s32 s21, s0  }
0x10: {  	s0 =	sadd.s32 s22, s0;
	s1 =	sadd.s32 s1, s22;
	[dreg:$0x8] =	wrdreg s25  }
.Ltmp0:
0x11: {  	s24 =	sadd.s32 $0x1600, s0;
	[dreg:$0x6] =	wrdreg s1;
	(pc) =	sbr.rel .LBB2_1-.Ltmp0, $4  }
0x12: {  	s21 =	simm.s32 $0x2900;
	s0 =	sadd.s32 $0x2600, s0;
	[dreg:$0x5] =	wrdreg s24  }
0x13: {  	v1 =	vlaneseq.u32;
	s22 =	simm.s32 $0x3100;
	s26 =	sadd.s32 $0x3600, s6;
	[dreg:$0x7] =	wrdreg s0  }
0x14: {  	v2 =	vimm.s32 $0x0;
	vm0 =	vmmov $0xffff;
	v4 =	vshrl.u32 v1, $0x3;
	s25 =	simm.s32 $0x4900;
	s1 =	simm.s32 $0x8100;
	[dreg:$0x9] =	wrdreg s26  }
0x15: {  	v3 =	vand.u32 $0x7, v1;
	v5 =	vor.u32 $0x8, v1;
	v4 =	vmul.u32 $0x8, v4;
	s24 =	simm.s32 $0x4100;
	s26 =	simm.s32 $0x5100;
	s0 =	simm.s32 $0x7900  }
.LBB2_5:
0x16: {  	s5 =	sadd.s32 $0x1, s5;
	s4 =	rddreg [dreg:$0x8]  }
0x17: {  	p0 =	sne.s32 s5, s4  }
.Ltmp1:
0x18: {  	_ = 	snop;
	(pc) =	sbr.rel @!p0 .LBB2_6-.Ltmp1, $1  }
0x19: {  	_ =	sdelay $0x3  }
.LBB2_1:
0x1a: {  	s4 =	rddreg [dreg:$0x5]  }
0x1b: {  	[tilespmem:s3], [sflag:$0x2] =	stream.linear.gather [hbm4b:s4+s3], $0x400, $0x38;
	[tilespmem:$0x9100] =	vst v63  }
0x1c: {  	_ =	swait.ge [sflag:s13], $0x400  }
0x1d: {  	[sflag:s13] =	ssyncset.done $0x0  }
0x1e: {  	s6 =	simm.s32 $0x400;
	s11 =	rddreg [dreg:$0x6];
	[sflag:s13] =	ssyncadd.s32 $0xFFFFFC00  }
0x1f: {  	[tilespmem:s6], [sflag:$0x2] =	stream.linear.gather [hbm4b:s11+s3], $0x400, $0x38;
	[tilespmem:$0x9100] =	vst v63  }
0x20: {  	_ =	swait.ge [sflag:s13], $0x400  }
0x21: {  	[sflag:s13] =	ssyncset.done $0x0  }
0x22: {  	s12 =	simm.s32 $0x0;
	[sflag:s13] =	ssyncadd.s32 $0xFFFFFC00  }
0x23: {  	v6 =	vld [tilespmem:s12+$0x0];
	_ =	sdelay $0x4  }
0x24: {  	vm1 =	vlt.s32 v6, $0x8000;
	v6 =	vsub.s32 v6, v0  }
0x25: {  	v6 =	vnsel vm1, $0x400, v6;
	_ =	sdelay $0x2  }
0x26: {  	v7 =	vld [tilespmem:s12+$0x400];
	s12 =	rddreg [dreg:$0x4]  }
0x27: {  	v8 =	vor.u32 s12, v1  }
0x28: {  	[tilespmem:v6+s15+$0x0] =	vst.idx.msk $0xffff, v8;
	v8 =	vmpcnt.ones.xlane vm1;
	_ =	sdelay $0x1  }
0x29: {  	(v2sf) =	vpush v8, $0x0;
	_ =	sdelay $0x3  }
0x2a: {  	s4 =	simm.s32 $0x10;
	[tilespmem:v6+s16+$0x0] =	vst.idx.msk $0xffff, v7  }
0x2b: {  	s7 =	simm.s32 $0x80;
	s11 =	simm.s32 $0xC0;
	s6 =	simm.s32 $0x0;
	v6 =	vld [tilespmem:s4+$0x0]  }
.LBB2_2:
0x2c: {  	p0 =	sne.s32 s11, $0xFC0;
	_ =	sdelay $0x3  }
0x2d: {  	vm1 =	vlt.s32 v6, $0x8000;
	v6 =	vsub.s32 v6, v0  }
0x2e: {  	v6 =	vnsel vm1, $0x400, v6;
	v7 =	vmpcnt.ones.xlane vm1  }
0x2f: {  	v8 =	vld [tilespmem:s4+$0x400]  }
0x30: {  	(v2sf) =	vpush v7, $0x0  }
.Ltmp2:
0x31: {  	s12 =	sadd.s32 $0x10, s12;
	(pc) =	sbr.rel @p0 .LBB2_2-.Ltmp2, $4  }
0x32: {  	v7 =	vor.u32 s12, v1;
	s4 =	spop (v2sf)  }
0x33: {  	[tilespmem:v6+s15+$0x0] =	vst.idx.msk $0xffff, v7;
	s6 =	sadd.s32 s6, s4  }
0x34: {  	s4 =	sshra.s32 s7, $0x2;
	s7 =	smov.u32 s11;
	[tilespmem:v6+s16+$0x0] =	vst.idx.msk $0xffff, v8  }
0x35: {  	s11 =	sadd.s32 $0x40, s11;
	v6 =	vld [tilespmem:s4+$0x0]  }
0x36: {  	_ =	sdelay $0x3  }
0x37: {  	vm1 =	vlt.s32 v6, $0x8000;
	v6 =	vsub.s32 v6, v0  }
0x38: {  	v6 =	vnsel vm1, $0x400, v6  }
0x39: {  	v7 =	vld [tilespmem:s4+$0x400];
	_ =	sdelay $0x1  }
0x3a: {  	s11 =	sadd.s32 $0x10, s12  }
0x3b: {  	v8 =	vor.u32 s11, v1  }
0x3c: {  	[tilespmem:v6+s15+$0x0] =	vst.idx.msk $0xffff, v8  }
0x3d: {  	s7 =	sshra.s32 s7, $0x2;
	[tilespmem:v6+s16+$0x0] =	vst.idx.msk $0xffff, v7  }
0x3e: {  	v6 =	vld [tilespmem:s7+$0x0];
	_ =	sdelay $0x4  }
0x3f: {  	v7 =	vmpcnt.ones.xlane vm1;
	vm1 =	vlt.s32 v6, $0x8000  }
0x40: {  	v62 =	vmpcnt.ones.xlane vm1  }
0x41: {  	(v2sf) =	vpush v7, $0x0  }
0x42: {  	(v2sf) =	vpush v62, $0x0;
	_ =	sdelay $0x8  }
0x43: {  	v6 =	vsub.s32 v6, v0  }
0x44: {  	v6 =	vnsel vm1, $0x400, v6  }
0x45: {  	v7 =	vld [tilespmem:s7+$0x400];
	_ =	sdelay $0x1  }
0x46: {  	s4 =	sadd.s32 $0x10, s11;
	s12 =	spop (v2sf)  }
0x47: {  	v63 =	vor.u32 s4, v1;
	s6 =	sadd.s32 s6, s12;
	s7 =	spop (v2sf)  }
0x48: {  	[tilespmem:v6+s15+$0x0] =	vst.idx.msk $0xffff, v63;
	s4 =	sadd.s32 s6, s7;
	s11 =	spop (v2sf)  }
0x49: {  	[tilespmem:v6+s16+$0x0] =	vst.idx.msk $0xffff, v7;
	s4 =	sadd.s32 s4, s11  }
0x4a: {  	[tilespmem:s4+$0x800] =	vst v2  }
0x4b: {  	s12 =	rddreg [dreg:$0x7];
	[tilespmem:s4+$0x810] =	vst v2;
	s4 =	sadd.s32 $0x1F, s4  }
0x4c: {  	[hbm4b:s12+s3] =	stream.linear.scatter [tilespmem:s16], [sflag:$0x2], $0x400, $0x38;
	[tilespmem:$0x9100] =	vst v63  }
0x4d: {  	s7 =	sand.u32 $0x1F, s4  }
0x4e: {  	s11 =	sshra.s32 s4, $0x1F;
	p0 =	slt.s32 s4, $0x1;
	p1 =	sne.s32 s7, $0x0  }
0x4f: {  	s12 =	sshrl.u32 s11, $0x1B;
	p0 =	por !p0, !p1  }
0x50: {  	s6 =	simm.s32 $0x1;
	s4 =	sadd.s32 s12, s4;
	p0 =	por !p0, !p0  }
0x51: {  	s4 =	sshra.s32 s4, $0x5;
	s6 =	simm.s32 @!p0 $0x0  }
0x52: {  	s6 =	ssub.s32 s4, s6  }
0x53: {  	p0 =	slt.s32 s6, $0x1  }
.Ltmp3:
0x54: {  	_ = 	snop;
	(pc) =	sbr.rel @p0 .LBB2_5-.Ltmp3, $4  }
0x55: {  	_ = 	snop  }
0x56: {  	_ =	swait.ge [sflag:s13], $0x400  }
0x57: {  	[sflag:s13] =	ssyncset.done $0x0  }
0x58: {  	s7 =	simm.s32 $0x810;
	s12 =	rddreg [dreg:$0x9];
	[sflag:s13] =	ssyncadd.s32 $0xFFFFFC00  }
.LBB2_4:
0x59: {  	v6 =	vld [tilespmem:s7+$0xFFFFFFF0];
	_ =	sdelay $0x4  }
0x5a: {  	v7 =	vshll.u32 v6, $0x3  }
0x5b: {  	v6 =	vand.u32 $0x7, v6;
	v7 =	vand.u32 $0xFFFFFFC0, v7  }
0x5c: {  	v6 =	vor.u32 v6, v7  }
0x5d: {  	v7 =	vperm.xlane v6, v3;
	_ =	sdelay $0x1  }
0x5e: {  	v7 =	vadd.s32 v4, v7;
	_ =	sdelay $0x4  }
0x5f: {  	[tilespmem:s18], [sflag:$0x1] =	stream.indirect_vreg.gather [hbm4b:s2+s3], $0x80, v7, vm0, $0xb8;
	[tilespmem:$0x9100] =	vst v63  }
0x60: {  	v6 =	vperm.xlane v6, v5  }
0x61: {  	[tilespmem:s19], [sflag:$0x1] =	stream.indirect_vreg.gather [hbm4b:s8+s3], $0x80, v7, vm0, $0xb8;
	[tilespmem:$0x9100] =	vst v63  }
0x62: {  	v6 =	vadd.s32 v4, v6  }
0x63: {  	[tilespmem:s20], [sflag:$0x1] =	stream.indirect_vreg.gather [hbm4b:s9+s3], $0x80, v7, vm0, $0xb8;
	[tilespmem:$0x9100] =	vst v63  }
0x64: {  	_ = 	snop  }
0x65: {  	[tilespmem:s21], [sflag:$0x1] =	stream.indirect_vreg.gather [hbm4b:s10+s3], $0x80, v7, vm0, $0xb8;
	[tilespmem:$0x9100] =	vst v63  }
0x66: {  	_ = 	snop  }
0x67: {  	[tilespmem:s22], [sflag:$0x1] =	stream.indirect_vreg.gather [hbm4b:s2+s3], $0x80, v6, vm0, $0xb8;
	[tilespmem:$0x9100] =	vst v63  }
0x68: {  	_ = 	snop  }
0x69: {  	[tilespmem:s23], [sflag:$0x1] =	stream.indirect_vreg.gather [hbm4b:s8+s3], $0x80, v6, vm0, $0xb8;
	[tilespmem:$0x9100] =	vst v63  }
0x6a: {  	_ = 	snop  }
0x6b: {  	[tilespmem:s24], [sflag:$0x1] =	stream.indirect_vreg.gather [hbm4b:s9+s3], $0x80, v6, vm0, $0xb8;
	[tilespmem:$0x9100] =	vst v63  }
0x6c: {  	_ = 	snop  }
0x6d: {  	[tilespmem:s25], [sflag:$0x1] =	stream.indirect_vreg.gather [hbm4b:s10+s3], $0x80, v6, vm0, $0xb8;
	[tilespmem:$0x9100] =	vst v63  }
0x6e: {  	v6 =	vld [tilespmem:s7+$0x0];
	_ =	sdelay $0x4  }
0x6f: {  	v7 =	vshll.u32 v6, $0x3  }
0x70: {  	v6 =	vand.u32 $0x7, v6;
	v7 =	vand.u32 $0xFFFFFFC0, v7  }
0x71: {  	v6 =	vor.u32 v6, v7  }
0x72: {  	v7 =	vperm.xlane v6, v3;
	_ =	sdelay $0x1  }
0x73: {  	v7 =	vadd.s32 v4, v7;
	_ =	sdelay $0x4  }
0x74: {  	[tilespmem:s26], [sflag:$0x1] =	stream.indirect_vreg.gather [hbm4b:s2+s3], $0x80, v7, vm0, $0xb8;
	[tilespmem:$0x9100] =	vst v63  }
0x75: {  	v6 =	vperm.xlane v6, v5  }
0x76: {  	[tilespmem:s28], [sflag:$0x1] =	stream.indirect_vreg.gather [hbm4b:s8+s3], $0x80, v7, vm0, $0xb8;
	[tilespmem:$0x9100] =	vst v63  }
0x77: {  	v6 =	vadd.s32 v4, v6  }
0x78: {  	[tilespmem:s29], [sflag:$0x1] =	stream.indirect_vreg.gather [hbm4b:s9+s3], $0x80, v7, vm0, $0xb8;
	[tilespmem:$0x9100] =	vst v63  }
0x79: {  	_ = 	snop  }
0x7a: {  	[tilespmem:s30], [sflag:$0x1] =	stream.indirect_vreg.gather [hbm4b:s10+s3], $0x80, v7, vm0, $0xb8;
	[tilespmem:$0x9100] =	vst v63  }
0x7b: {  	_ = 	snop  }
0x7c: {  	[tilespmem:s31], [sflag:$0x1] =	stream.indirect_vreg.gather [hbm4b:s2+s3], $0x80, v6, vm0, $0xb8;
	[tilespmem:$0x9100] =	vst v63  }
0x7d: {  	_ = 	snop  }
0x7e: {  	[tilespmem:s0], [sflag:$0x1] =	stream.indirect_vreg.gather [hbm4b:s8+s3], $0x80, v6, vm0, $0xb8;
	[tilespmem:$0x9100] =	vst v63  }
0x7f: {  	_ = 	snop  }
0x80: {  	[tilespmem:s1], [sflag:$0x1] =	stream.indirect_vreg.gather [hbm4b:s9+s3], $0x80, v6, vm0, $0xb8;
	[tilespmem:$0x9100] =	vst v63  }
0x81: {  	_ = 	snop  }
0x82: {  	[tilespmem:s14], [sflag:$0x1] =	stream.indirect_vreg.gather [hbm4b:s10+s3], $0x80, v6, vm0, $0xb8;
	[tilespmem:$0x9100] =	vst v63  }
0x83: {  	_ =	swait.ge [sflag:s17], $0x8000  }
0x84: {  	p0 =	sne.s32 s6, $0x1;
	[sflag:s17] =	ssyncset.done $0x0  }
.Ltmp4:
0x85: {  	[sflag:s17] =	ssyncadd.s32 $0xFFFF8000;
	(pc) =	sbr.rel @p0 .LBB2_4-.Ltmp4, $4  }
0x86: {  	[hbm4b:s12+s3] =	stream.linear.scatter [tilespmem:s18], [sflag:$0x2], $0x8000, $0x38;
	[tilespmem:$0x9100] =	vst v63  }
0x87: {  	_ =	swait.ge [sflag:s13], $0x8000  }
0x88: {  	s6 =	sadd.s32 $0xFFFFFFFF, s6;
	[sflag:s13] =	ssyncset.done $0x0  }
0x89: {  	s7 =	sadd.s32 $0x20, s7;
	s12 =	sadd.s32 $0x1000, s12;
	[sflag:s13] =	ssyncadd.s32 $0xFFFF8000  }
.Ltmp5:
0x8a: {  	_ = 	snop;
	(pc) =	sbr.rel .LBB2_5-.Ltmp5, $1  }
0x8b: {  	_ =	sdelay $0x3  }
.LBB2_6:
0x8c: {  	_ =	sfence.sel $0x180000  }
0x8d: {  	[bflag:$0x0] =	sbarrier.arrive $0xFFFF  }
0x8e: {  	_ =	strace $0x90000047  }
0x8f: {  	s0 =	stileid.u32;
	[bflag:$0x2] =	sbarrier.arrive $0xFFFF  }
0x90: {  	p0 =	sne.s32 s0, $0x0;
	s0 =	rddreg [dreg:$0x3]  }
0x91: {  	s0 =	sadd.s32 @!p0 $0x100000, s0  }
0x92: {  	[sflag:s0] =	ssyncadd.tile.s32 @!p0 $0x1;
	_ =	shalt  }
.Lfunc_end2:
_tile_overlayer_lowered:
.L_overlay_start_2:
0x93: {  	(tag) =	ssettag $0x2  }
0x94: {  	s0 =	rddreg [dreg:$0x0];
	s2 =	stileid.u32  }
0x95: {  	s1 =	rddreg [dreg:$0x1];
	p0 =	sne.s32 s2, $0x0  }
0x96: {  	s3 =	rddreg [dreg:$0x2];
	[bflag:$0x3] =	sbarrier.arrive $0xFFFF;
	s2 =	simm.s32 @!p0 $0x1C02  }
0x97: {  	[timem:s3], [sflag:s2] =	dma.local @!p0 [hbm:s0], s1  }
0x98: {  	s0 =	simm.s32 @!p0 $0x2  }
0x99: {  	_ =	swait.ge @!p0 [sflag:s0], s1  }
0x9a: {  	s1 =	ssub.s32 @!p0 $0x0, s1;
	[sflag:s0] =	ssyncset.done @!p0 $0x0  }
0x9b: {  	[sflag:s0] =	ssyncadd.s32 @!p0 s1  }
0x9c: {  	[bflag:$0x3] =	sbarrier.arrive $0xFFFF  }
0x9d: {  	_ =	shalt  }

// kernel: kernel.9.cloned.1.call-start
scs
__scs_entry_jumppad:
0x0: {  	(pc) =	sbr.rel $0x88, $3  }
0x1: {  	(tag) =	ssettag $0x0;
	lr =	simm.s32 $0x1  }
0x2: {  	[smem:$0x3F97] =	sst lr;
	_ =	strace $0xD0000000  }
0x3: {  	_ = 	snop  }
0x4: {  	_ = 	snop  }
0x5: {  	_ = 	snop  }
0x6: {  	_ = 	snop  }
0x7: {  	_ = 	snop  }
__scs_overlays_trampoline_lowered:
0x8: {  	[smem:$0x3FA6] =	sst s0  }
0x9: {  	[smem:$0x3FA7] =	sst s1  }
0xa: {  	[smem:$0x3FA8] =	sst s2  }
0xb: {  	[smem:$0x3FA9] =	sst s3  }
0xc: {  	[smem:$0x3FAA] =	sst s4  }
0xd: {  	[smem:$0x3FAB] =	sst s5  }
0xe: {  	[smem:$0x3FAC] =	sst s6  }
0xf: {  	[smem:$0x3FAD] =	sst s7  }
0x10: {  	[smem:$0x3FAE] =	sst s8  }
0x11: {  	[smem:$0x3FAF] =	sst s9;
	s0 =	simm.s32 @!p0 $0x0  }
0x12: {  	s1 =	sld [smem:$0x3F95];
	s0 =	simm.s32 @p0 $0x1  }
0x13: {  	[smem:$0x3FB0] =	sst s0;
	s0 =	simm.s32 @!p1 $0x0  }
0x14: {  	s2 =	sld [smem:$0x3F94];
	s0 =	simm.s32 @p1 $0x1  }
0x15: {  	[smem:$0x3FB1] =	sst s0;
	s0 =	simm.s32 @!p2 $0x0  }
0x16: {  	s3 =	sld [smem:$0x3FDB];
	s0 =	simm.s32 @p2 $0x1  }
0x17: {  	s4 =	simm.s32 $0x1BF5;
	[smem:$0x3FB3] =	sst s0  }
0x18: {  	s0 =	sld [smem:$0x3F96];
	_ =	swait.ge [sflag:s4], $0x0  }
0x19: {  	s7 =	sld [smem:$0x3F97]  }
0x1a: {  	s8 =	sadd.s32 $0xFFFFE003, lr  }
0x1b: {  	s9 =	sadd.s32 $0xFFFFFEF7, lr;
	s5 =	simm.s32 $0xFFFFFFFF;
	p2 =	slt.u32 s8, $0xFFFFF086  }
0x1c: {  	p1 =	slt.u32 s9, $0xF7A;
	s5 =	simm.s32 @!p2 $0x0  }
0x1d: {  	s5 =	simm.s32 @p1 $0x1;
	p0 =	seq.s32 s7, s2  }
0x1e: {  	s7 =	smul.u32 @!p0 $0xF7A, s2;
	p2 =	seq.s32 @!p0 s5, $0x0  }
0x1f: {  	s9 =	smul.u32 $0xF7A, s1;
	s8 =	simm.s32 @!p0 $0x1BF5;
	p2 =	por !p2, p0  }
0x20: {  	[sflag:s8] =	ssyncset.s32 @!p0 $0xFFFFF086;
	s6 =	sadd.s32 @!p0 s3, s7;
	s7 =	simm.s32 @!p0 $0x108  }
0x21: {  	s3 =	sadd.s32 s3, s9;
	s6 =	sadd.s32 @!p0 $0x88, s6;
	s7 =	simm.s32 @p2 $0x1082  }
0x22: {  	[simem:s7], [sflag:s8] =	dma.local @!p0 [hbm:s6], $0xF7A  }
0x23: {  	s9 =	sor.u32 $0xD0000000, s2;
	s6 =	simm.s32 $0x108;
	_ =	swait.ge @!p0 [sflag:s8], $0x0  }
0x24: {  	s3 =	sadd.s32 $0x88, s3;
	s6 =	simm.s32 @!p1 $0x1082;
	[sflag:s4] =	ssyncset.s32 $0xFFFFF086  }
0x25: {  	[simem:s6], [sflag:s4] =	dma.local [hbm:s3], $0xF7A  }
0x26: {  	[smem:$0x3F97] =	sst s1;
	(tag) =	ssettag s2;
	_ =	strace s9  }
0x27: {  	s1 =	sld [smem:$0x3FA7]  }
0x28: {  	s2 =	sld [smem:$0x3FA8]  }
0x29: {  	s4 =	sld [smem:$0x3FAA]  }
0x2a: {  	p0 =	seq.s32 s5, $0x0;
	s5 =	sld [smem:$0x3FAB]  }
0x2b: {  	s6 =	sld [smem:$0x3FAC]  }
0x2c: {  	s7 =	sld [smem:$0x3FAD]  }
0x2d: {  	s3 =	simm.s32 $0x108;
	s8 =	sld [smem:$0x3FAE]  }
0x2e: {  	s3 =	simm.s32 @!p0 $0x1082;
	s9 =	sld [smem:$0x3FAF]  }
0x2f: {  	lr =	sadd.s32 s0, s3;
	s0 =	sld [smem:$0x3FA6]  }
0x30: {  	s3 =	sld [smem:$0x3FA9]  }
0x31: {  	[smem:$0x3FB2] =	sst s10  }
0x32: {  	s10 =	sld [smem:$0x3FB0];
	_ =	sdelay $0x3  }
0x33: {  	p0 =	seq.s32 s10, $0x1;
	s10 =	sld [smem:$0x3FB2];
	_ =	sdelay $0x3  }
0x34: {  	[smem:$0x3FB2] =	sst s10  }
0x35: {  	s10 =	sld [smem:$0x3FB1];
	_ =	sdelay $0x3  }
0x36: {  	p1 =	seq.s32 s10, $0x1;
	s10 =	sld [smem:$0x3FB2];
	_ =	sdelay $0x3  }
0x37: {  	[smem:$0x3FB2] =	sst s10  }
0x38: {  	s10 =	sld [smem:$0x3FB3]  }
0x39: {  	_ = 	snop;
	(pc) =	sbr.ind lr, $3  }
0x3a: {  	_ = 	snop  }
0x3b: {  	_ = 	snop  }
0x3c: {  	p2 =	seq.s32 s10, $0x1;
	s10 =	sld [smem:$0x3FB2]  }
0x3d: {  	_ =	shalt  }
0x3e: {  	_ =	shalt  }
0x3f: {  	_ =	shalt  }
0x40: {  	_ =	shalt  }
0x41: {  	_ =	shalt  }
0x42: {  	_ =	shalt  }
0x43: {  	_ =	shalt  }
0x44: {  	_ =	shalt  }
0x45: {  	_ =	shalt  }
0x46: {  	_ =	shalt  }
0x47: {  	_ =	shalt  }
0x48: {  	_ =	shalt  }
0x49: {  	_ =	shalt  }
0x4a: {  	_ =	shalt  }
0x4b: {  	_ =	shalt  }
0x4c: {  	_ =	shalt  }
0x4d: {  	_ =	shalt  }
0x4e: {  	_ =	shalt  }
0x4f: {  	_ =	shalt  }
0x50: {  	_ =	shalt  }
0x51: {  	_ =	shalt  }
0x52: {  	_ =	shalt  }
0x53: {  	_ =	shalt  }
0x54: {  	_ =	shalt  }
0x55: {  	_ =	shalt  }
0x56: {  	_ =	shalt  }
0x57: {  	_ =	shalt  }
0x58: {  	_ =	shalt  }
0x59: {  	_ =	shalt  }
0x5a: {  	_ =	shalt  }
0x5b: {  	_ =	shalt  }
0x5c: {  	_ =	shalt  }
0x5d: {  	_ =	shalt  }
0x5e: {  	_ =	shalt  }
0x5f: {  	_ =	shalt  }
0x60: {  	_ =	shalt  }
0x61: {  	_ =	shalt  }
0x62: {  	_ =	shalt  }
0x63: {  	_ =	shalt  }
0x64: {  	_ =	shalt  }
0x65: {  	_ =	shalt  }
0x66: {  	_ =	shalt  }
0x67: {  	_ =	shalt  }
0x68: {  	_ =	shalt  }
0x69: {  	_ =	shalt  }
0x6a: {  	_ =	shalt  }
0x6b: {  	_ =	shalt  }
0x6c: {  	_ =	shalt  }
0x6d: {  	_ =	shalt  }
0x6e: {  	_ =	shalt  }
0x6f: {  	_ =	shalt  }
0x70: {  	_ =	shalt  }
0x71: {  	_ =	shalt  }
0x72: {  	_ =	shalt  }
0x73: {  	_ =	shalt  }
0x74: {  	_ =	shalt  }
0x75: {  	_ =	shalt  }
0x76: {  	_ =	shalt  }
0x77: {  	_ =	shalt  }
0x78: {  	_ =	shalt  }
0x79: {  	_ =	shalt  }
0x7a: {  	_ =	shalt  }
0x7b: {  	_ =	shalt  }
0x7c: {  	_ =	shalt  }
0x7d: {  	_ =	shalt  }
0x7e: {  	_ =	shalt  }
0x7f: {  	_ =	shalt  }
0x80: {  	_ =	shalt  }
0x81: {  	_ =	shalt  }
0x82: {  	_ =	shalt  }
0x83: {  	_ =	shalt  }
0x84: {  	_ =	shalt  }
0x85: {  	_ =	shalt  }
0x86: {  	_ =	shalt  }
0x87: {  	_ =	shalt  }
.Lfunc_end0:
.L_simem_size_0:
called_computation.1_lowered:
.L_overlay_start_0:
0x88: {  	s2 =	sld [smem:$0x3FD9]  }
0x89: {  	s3 =	sld [smem:$0x3FFE];
	_ =	sdelay $0x1  }
0x8a: {  	s1 =	srdreg.scid  }
0x8b: {  	s0 =	sand.u32 $0x1, s1  }
0x8c: {  	s17 =	sshll.u32 s0, $0xA;
	s2 =	sadd.s32 s3, s2  }
0x8d: {  	s2 =	sadd.s32 s2, s17  }
0x8e: {  	[smem:$0x3FBE] =	sst s2  }
0x8f: {  	_ = 	snop  }
0x90: {  	s2 =	sld [smem:$0x3FD0];
	(tm) =	ssettm $0x1  }
0x91: {  	s18 =	sld [smem:$0x3FFB];
	_ =	sdelay $0x3  }
0x92: {  	_ =	strace s18  }
0x93: {  	s3 =	sld [smem:$0x3FFC];
	_ =	sdelay $0x3  }
0x94: {  	_ =	strace s3  }
0x95: {  	s3 =	sld [smem:$0x3FFD];
	_ =	sdelay $0x3  }
0x96: {  	_ =	strace s3  }
0x97: {  	_ =	strace $0x8FFFFFFF  }
0x98: {  	s19 =	sld [smem:$0x3FDB];
	_ =	sdelay $0x1  }
0x99: {  	s4 =	simm.s32 $_scs_section_size  }
0x9a: {  	s5 =	simm.s32 $_size__tile_overlayer_lowered;
	s6 =	simm.s32 $_tile_overlayer_lowered  }
0x9b: {  	s22 =	simm.s32 $0x1BFF;
	s21 =	sshll.u32 s6, $0x1;
	s3 =	sadd.s32 s4, s19  }
0x9c: {  	s7 =	simm.s32 $0x0;
	s20 =	sshll.u32 s5, $0x1;
	s5 =	sadd.s32 s21, s3  }
0x9d: {  	[timem:s7], [sflag:s22] =	dma.local [hbm:s5], s20  }
0x9e: {  	_ =	swait.ge [sflag:s22], s20  }
0x9f: {  	s4 =	ssub.s32 $0x0, s20;
	[sflag:s22] =	ssyncset.done $0x0  }
0xa0: {  	[sflag:s22] =	ssyncadd.s32 s4;
	_ =	sdelay $0x1  }
0xa1: {  	s23 =	simm.s32 $0x1B8B  }
0xa2: {  	_ =	swait.ge [sflag:s23], $0x1  }
0xa3: {  	[sflag:s23] =	ssyncset.done $0x0  }
0xa4: {  	s25 =	simm.s32 $0x1B8E;
	s24 =	sld [smem:$0x3FFE];
	[sflag:s23] =	ssyncadd.s32 $0xFFFFFFFF  }
0xa5: {  	s26 =	simm.s32 $execute0_lowered;
	[smem:$0x3FD2] =	sst s25  }
0xa6: {  	s5 =	sshll.u32 s26, $0x1;
	_ =	strace $0x80000049;
	[dreg:$0x1] =	wrdreg $0xFFFFFFFF  }
0xa7: {  	s28 =	simm.s32 $_size_execute0_lowered;
	s3 =	sadd.s32 s3, s5;
	[dreg:$0x0] =	wrdreg $0x0  }
0xa8: {  	s5 =	sshll.u32 s28, $0x1;
	[dreg:$0x2] =	wrdreg s3  }
0xa9: {  	[dreg:$0x3] =	wrdreg s5  }
0xaa: {  	[dreg:$0x4] =	wrdreg $0xC0  }
0xab: {  	_ =	task [dreg:s7], $0x5FFFF  }
0xac: {  	[dreg:$0x1] =	wrdreg $0xFFFFFFFF  }
0xad: {  	[dreg:$0x0] =	wrdreg $0x60  }
0xae: {  	[dreg:$0x2] =	wrdreg s24  }
0xaf: {  	[dreg:$0x3] =	wrdreg s2  }
0xb0: {  	[dreg:$0x4] =	wrdreg $0x9  }
0xb1: {  	_ =	task.clear_ibuf [dreg:s7], $0x5FFFF;
	_ =	strace $0x90000049  }
0xb2: {  	s29 =	simm.s32 $0x9;
	_ =	strace $0x8000004B  }
0xb3: {  	_ =	swait.ge [sflag:s29], $0x1  }
0xb4: {  	[sflag:s29] =	ssyncadd.s32 $0xFFFFFFFF  }
0xb5: {  	_ =	strace $0x9000004B  }
0xb6: {  	_ =	sfence  }
0xb7: {  	s30 =	sld [smem:$0x0];
	_ =	sdelay $0x2  }
0xb8: {  	s31 =	sshll.u32 s1, $0xD;
	s1 =	sshrl.u32 s1, $0x2  }
0xb9: {  	s3 =	sand.u32 $0x4000, s31;
	s1 =	sadd.s32 s1, s30  }
0xba: {  	s0 =	sor.u32 s3, s0;
	s1 =	sshll.u32 s1, $0x11  }
0xbb: {  	s0 =	sor.u32 s1, s0  }
0xbc: {  	s0 =	sadd.s32 $0x8F2B, s0  }
0xbd: {  	[sflag:s0] =	ssyncadd.remote.s32 $0x1  }
0xbe: {  	_ =	sfence.sel $0xFFFF  }
0xbf: {  	[dreg:$0x0] =	wrdreg $0xFFFFFFFF;
	(pc) =	sbr.abs _section_cstart, $3  }
0xc0: {  	[dreg:$0x1] =	wrdreg $0xFFFFFFFF  }
0xc1: {  	_ =	task.clear_ibuf [dreg:s7], $0x2FFFF;
	_ =	strace $0x9FFFFFFF  }
0xc2: {  	(tm) =	ssettm $0x7FFFFFFF  }
0xc3: {  	_ =	shalt  }
tec
execute0_lowered:
.L_overlay_start_1:
0x0: {  	(tag) =	ssettag $0x1  }
0x1: {  	s0 =	rddreg [dreg:$0x0]  }
0x2: {  	s1 =	srdreg.scid;
	s3 =	stileid.u32  }
0x3: {  	s5 =	simm.s32 $0x0;
	s14 =	simm.s32 $0x5;
	s9 =	simm.s32 $0xAC00  }
0x4: {  	s13 =	simm.s32 $0xB400;
	s18 =	simm.s32 $0xC400;
	s19 =	simm.s32 $0xCC00  }
0x5: {  	s20 =	simm.s32 $0xD400;
	s21 =	simm.s32 $0xDC00;
	s22 =	simm.s32 $0xE400  }
0x6: {  	s28 =	simm.s32 $0x2;
	s29 =	simm.s32 $0x3;
	s30 =	simm.s32 $0x4  }
0x7: {  	s31 =	simm.s32 $0x10400;
	s8 =	simm.s32 $0x0;
	s1 =	sand.u32 $0x1, s1  }
0x8: {  	s4 =	sshll.u32 s3, $0x8;
	s2 =	sshll.u32 s1, $0xC;
	s1 =	ssub.s32 $0x2, s1  }
0x9: {  	[smem:$0x7FF] =	sst s5;
	s4 =	sor.u32 s4, s2;
	s6 =	sshrl.u32 s1, $0x1  }
0xa: {  	s5 =	sadd.s32 $0x403600, s0;
	s2 =	sshrl.u32 s4, $0x3;
	s1 =	ssub.s32 s1, s6  }
0xb: {  	s10 =	sadd.s32 $0x403700, s0;
	s2 =	sadd.s32 s2, s0;
	s26 =	smax.u32 s1, $0x1  }
0xc: {  	_ =	strace $0x8000004A;
	s23 =	sadd.s32 $0x1600, s2;
	[dreg:$0x7] =	wrdreg s26  }
0xd: {  	s11 =	sadd.s32 $0x403800, s0;
	s24 =	sadd.s32 $0x1A00, s2;
	[dreg:$0x3] =	wrdreg s23  }
0xe: {  	s12 =	sadd.s32 $0x403900, s0;
	s25 =	sadd.s32 $0x1E00, s2;
	[dreg:$0x4] =	wrdreg s24  }
0xf: {  	v2 =	vlaneseq.u32;
	s1 =	simm.s32 $0x0;
	s2 =	sadd.s32 $0x2200, s2;
	[dreg:$0x5] =	wrdreg s25  }
0x10: {  	vm0 =	vmmov $0xffff;
	v1 =	vshrl.u32 v2, $0x3;
	s26 =	simm.s32 $0x1;
	[dreg:$0x6] =	wrdreg s2;
	s2 =	simm.s32 $0xBC00  }
0x11: {  	v0 =	vand.u32 $0x7, v2;
	v2 =	vor.u32 $0x8, v2;
	v1 =	vmul.u32 $0x8, v1;
	s23 =	simm.s32 $0xEC00;
	s24 =	simm.s32 $0xF400;
	s25 =	simm.s32 $0xFC00  }
.LBB2_1:
0x12: {  	[dreg:$0x8] =	wrdreg s1  }
0x13: {  	s0 =	simm.s32 $0x0;
	s3 =	rddreg [dreg:$0x3]  }
0x14: {  	[tilespmem:s0], [sflag:$0x5] =	stream.linear.gather [hbm4b:s3+s0], $0x100, $0x38;
	[tilespmem:$0x14400] =	vst v63  }
0x15: {  	_ =	swait.ge [sflag:s14], $0x100  }
0x16: {  	[sflag:s14] =	ssyncset.done $0x0  }
0x17: {  	s3 =	simm.s32 $0x100;
	s6 =	rddreg [dreg:$0x4];
	[sflag:s14] =	ssyncadd.s32 $0xFFFFFF00  }
0x18: {  	[tilespmem:s3], [sflag:$0x5] =	stream.linear.gather [hbm4b:s6+s0], $0x100, $0x38;
	[tilespmem:$0x14400] =	vst v63  }
0x19: {  	_ =	swait.ge [sflag:s14], $0x100  }
0x1a: {  	[sflag:s14] =	ssyncset.done $0x0  }
0x1b: {  	s15 =	simm.s32 $0x200;
	s7 =	rddreg [dreg:$0x5];
	[sflag:s14] =	ssyncadd.s32 $0xFFFFFF00  }
0x1c: {  	[tilespmem:s15], [sflag:$0x5] =	stream.linear.gather [hbm4b:s7+s0], $0x100, $0x38;
	[tilespmem:$0x14400] =	vst v63  }
0x1d: {  	_ =	swait.ge [sflag:s14], $0x100  }
0x1e: {  	[sflag:s14] =	ssyncset.done $0x0  }
0x1f: {  	s17 =	simm.s32 $0x300;
	s16 =	rddreg [dreg:$0x6];
	[sflag:s14] =	ssyncadd.s32 $0xFFFFFF00  }
0x20: {  	[tilespmem:s17], [sflag:$0x5] =	stream.linear.gather [hbm4b:s16+s0], $0x100, $0x38;
	[tilespmem:$0x14400] =	vst v63  }
0x21: {  	_ =	swait.ge [sflag:s14], $0x100  }
0x22: {  	[sflag:s14] =	ssyncset.done $0x0  }
0x23: {  	s0 =	simm.s32 $0x0;
	[sflag:s14] =	ssyncadd.s32 $0xFFFFFF00  }
.LBB2_2:
0x24: {  	s1 =	sshll.u32 s0, $0x4  }
0x25: {  	v3 =	vld [tilespmem:s1+$0x0];
	_ =	sdelay $0x4  }
0x26: {  	v4 =	vshll.u32 v3, $0x3  }
0x27: {  	v3 =	vand.u32 $0x7, v3;
	v4 =	vand.u32 $0xFFFFFFC0, v4  }
0x28: {  	v3 =	vor.u32 v3, v4  }
0x29: {  	v4 =	vperm.xlane v3, v0;
	_ =	sdelay $0x1  }
0x2a: {  	v4 =	vadd.s32 v1, v4;
	_ =	sdelay $0x3  }
0x2b: {  	s15 =	simm.s32 $0x0;
	s3 =	simm.s32 $0x400  }
0x2c: {  	[tilespmem:s3], [sflag:$0x1] =	stream.indirect_vreg.gather [hbm4b:s5+s15], $0x80, v4, vm0, $0xb8;
	[tilespmem:$0x14400] =	vst v63  }
0x2d: {  	s6 =	simm.s32 $0xC00;
	v3 =	vperm.xlane v3, v2  }
0x2e: {  	[tilespmem:s6], [sflag:$0x1] =	stream.indirect_vreg.gather [hbm4b:s10+s15], $0x80, v4, vm0, $0xb8;
	[tilespmem:$0x14400] =	vst v63  }
0x2f: {  	s7 =	simm.s32 $0x1400;
	v3 =	vadd.s32 v1, v3  }
0x30: {  	[tilespmem:s7], [sflag:$0x1] =	stream.indirect_vreg.gather [hbm4b:s11+s15], $0x80, v4, vm0, $0xb8;
	[tilespmem:$0x14400] =	vst v63  }
0x31: {  	s16 =	simm.s32 $0x1C00  }
0x32: {  	[tilespmem:s16], [sflag:$0x1] =	stream.indirect_vreg.gather [hbm4b:s12+s15], $0x80, v4, vm0, $0xb8;
	[tilespmem:$0x14400] =	vst v63  }
0x33: {  	s17 =	simm.s32 $0x2400  }
0x34: {  	[tilespmem:s17], [sflag:$0x1] =	stream.indirect_vreg.gather [hbm4b:s5+s15], $0x80, v3, vm0, $0xb8;
	[tilespmem:$0x14400] =	vst v63  }
0x35: {  	s6 =	simm.s32 $0x2C00  }
0x36: {  	[tilespmem:s6], [sflag:$0x1] =	stream.indirect_vreg.gather [hbm4b:s10+s15], $0x80, v3, vm0, $0xb8;
	[tilespmem:$0x14400] =	vst v63  }
0x37: {  	s7 =	simm.s32 $0x3400  }
0x38: {  	[tilespmem:s7], [sflag:$0x1] =	stream.indirect_vreg.gather [hbm4b:s11+s15], $0x80, v3, vm0, $0xb8;
	[tilespmem:$0x14400] =	vst v63  }
0x39: {  	s16 =	simm.s32 $0x3C00  }
0x3a: {  	[tilespmem:s16], [sflag:$0x1] =	stream.indirect_vreg.gather [hbm4b:s12+s15], $0x80, v3, vm0, $0xb8;
	[tilespmem:$0x14400] =	vst v63  }
0x3b: {  	v3 =	vld [tilespmem:s1+$0x100];
	_ =	sdelay $0x4  }
0x3c: {  	v4 =	vshll.u32 v3, $0x3  }
0x3d: {  	v3 =	vand.u32 $0x7, v3;
	v4 =	vand.u32 $0xFFFFFFC0, v4  }
0x3e: {  	v3 =	vor.u32 v3, v4  }
0x3f: {  	v4 =	vperm.xlane v3, v0;
	_ =	sdelay $0x1  }
0x40: {  	v4 =	vadd.s32 v1, v4;
	_ =	sdelay $0x3  }
0x41: {  	s17 =	simm.s32 $0x4400  }
0x42: {  	[tilespmem:s17], [sflag:$0x2] =	stream.indirect_vreg.gather [hbm4b:s5+s15], $0x80, v4, vm0, $0xb8;
	[tilespmem:$0x14400] =	vst v63  }
0x43: {  	s6 =	simm.s32 $0x4C00;
	v3 =	vperm.xlane v3, v2  }
0x44: {  	[tilespmem:s6], [sflag:$0x2] =	stream.indirect_vreg.gather [hbm4b:s10+s15], $0x80, v4, vm0, $0xb8;
	[tilespmem:$0x14400] =	vst v63  }
0x45: {  	s7 =	simm.s32 $0x5400;
	v3 =	vadd.s32 v1, v3  }
0x46: {  	[tilespmem:s7], [sflag:$0x2] =	stream.indirect_vreg.gather [hbm4b:s11+s15], $0x80, v4, vm0, $0xb8;
	[tilespmem:$0x14400] =	vst v63  }
0x47: {  	s16 =	simm.s32 $0x5C00  }
0x48: {  	[tilespmem:s16], [sflag:$0x2] =	stream.indirect_vreg.gather [hbm4b:s12+s15], $0x80, v4, vm0, $0xb8;
	[tilespmem:$0x14400] =	vst v63  }
0x49: {  	s17 =	simm.s32 $0x6400  }
0x4a: {  	[tilespmem:s17], [sflag:$0x2] =	stream.indirect_vreg.gather [hbm4b:s5+s15], $0x80, v3, vm0, $0xb8;
	[tilespmem:$0x14400] =	vst v63  }
0x4b: {  	s6 =	simm.s32 $0x6C00  }
0x4c: {  	[tilespmem:s6], [sflag:$0x2] =	stream.indirect_vreg.gather [hbm4b:s10+s15], $0x80, v3, vm0, $0xb8;
	[tilespmem:$0x14400] =	vst v63  }
0x4d: {  	s7 =	simm.s32 $0x7400  }
0x4e: {  	[tilespmem:s7], [sflag:$0x2] =	stream.indirect_vreg.gather [hbm4b:s11+s15], $0x80, v3, vm0, $0xb8;
	[tilespmem:$0x14400] =	vst v63  }
0x4f: {  	s16 =	simm.s32 $0x7C00  }
0x50: {  	[tilespmem:s16], [sflag:$0x2] =	stream.indirect_vreg.gather [hbm4b:s12+s15], $0x80, v3, vm0, $0xb8;
	[tilespmem:$0x14400] =	vst v63  }
0x51: {  	v3 =	vld [tilespmem:s1+$0x200];
	_ =	sdelay $0x4  }
0x52: {  	v4 =	vshll.u32 v3, $0x3  }
0x53: {  	v3 =	vand.u32 $0x7, v3;
	v4 =	vand.u32 $0xFFFFFFC0, v4  }
0x54: {  	v3 =	vor.u32 v3, v4  }
0x55: {  	v4 =	vperm.xlane v3, v0;
	_ =	sdelay $0x1  }
0x56: {  	v4 =	vadd.s32 v1, v4;
	_ =	sdelay $0x3  }
0x57: {  	s17 =	simm.s32 $0x8400  }
0x58: {  	[tilespmem:s17], [sflag:$0x3] =	stream.indirect_vreg.gather [hbm4b:s5+s15], $0x80, v4, vm0, $0xb8;
	[tilespmem:$0x14400] =	vst v63  }
0x59: {  	s6 =	simm.s32 $0x8C00;
	v3 =	vperm.xlane v3, v2  }
0x5a: {  	[tilespmem:s6], [sflag:$0x3] =	stream.indirect_vreg.gather [hbm4b:s10+s15], $0x80, v4, vm0, $0xb8;
	[tilespmem:$0x14400] =	vst v63  }
0x5b: {  	s7 =	simm.s32 $0x9400;
	v3 =	vadd.s32 v1, v3  }
0x5c: {  	[tilespmem:s7], [sflag:$0x3] =	stream.indirect_vreg.gather [hbm4b:s11+s15], $0x80, v4, vm0, $0xb8;
	[tilespmem:$0x14400] =	vst v63  }
0x5d: {  	s16 =	simm.s32 $0x9C00  }
0x5e: {  	[tilespmem:s16], [sflag:$0x3] =	stream.indirect_vreg.gather [hbm4b:s12+s15], $0x80, v4, vm0, $0xb8;
	[tilespmem:$0x14400] =	vst v63  }
0x5f: {  	s17 =	simm.s32 $0xA400  }
0x60: {  	[tilespmem:s17], [sflag:$0x3] =	stream.indirect_vreg.gather [hbm4b:s5+s15], $0x80, v3, vm0, $0xb8;
	[tilespmem:$0x14400] =	vst v63  }
0x61: {  	_ = 	snop  }
0x62: {  	[tilespmem:s9], [sflag:$0x3] =	stream.indirect_vreg.gather [hbm4b:s10+s15], $0x80, v3, vm0, $0xb8;
	[tilespmem:$0x14400] =	vst v63  }
0x63: {  	_ = 	snop  }
0x64: {  	[tilespmem:s13], [sflag:$0x3] =	stream.indirect_vreg.gather [hbm4b:s11+s15], $0x80, v3, vm0, $0xb8;
	[tilespmem:$0x14400] =	vst v63  }
0x65: {  	_ = 	snop  }
0x66: {  	[tilespmem:s2], [sflag:$0x3] =	stream.indirect_vreg.gather [hbm4b:s12+s15], $0x80, v3, vm0, $0xb8;
	[tilespmem:$0x14400] =	vst v63  }
0x67: {  	v3 =	vld [tilespmem:s1+$0x300];
	_ =	sdelay $0x4  }
0x68: {  	v4 =	vshll.u32 v3, $0x3  }
0x69: {  	v3 =	vand.u32 $0x7, v3;
	v4 =	vand.u32 $0xFFFFFFC0, v4  }
0x6a: {  	v3 =	vor.u32 v3, v4  }
0x6b: {  	v4 =	vperm.xlane v3, v0;
	_ =	sdelay $0x1  }
0x6c: {  	v4 =	vadd.s32 v1, v4;
	_ =	sdelay $0x4  }
0x6d: {  	[tilespmem:s18], [sflag:$0x4] =	stream.indirect_vreg.gather [hbm4b:s5+s15], $0x80, v4, vm0, $0xb8;
	[tilespmem:$0x14400] =	vst v63  }
0x6e: {  	v3 =	vperm.xlane v3, v2  }
0x6f: {  	[tilespmem:s19], [sflag:$0x4] =	stream.indirect_vreg.gather [hbm4b:s10+s15], $0x80, v4, vm0, $0xb8;
	[tilespmem:$0x14400] =	vst v63  }
0x70: {  	v3 =	vadd.s32 v1, v3  }
0x71: {  	[tilespmem:s20], [sflag:$0x4] =	stream.indirect_vreg.gather [hbm4b:s11+s15], $0x80, v4, vm0, $0xb8;
	[tilespmem:$0x14400] =	vst v63  }
0x72: {  	_ = 	snop  }
0x73: {  	[tilespmem:s21], [sflag:$0x4] =	stream.indirect_vreg.gather [hbm4b:s12+s15], $0x80, v4, vm0, $0xb8;
	[tilespmem:$0x14400] =	vst v63  }
0x74: {  	_ = 	snop  }
0x75: {  	[tilespmem:s22], [sflag:$0x4] =	stream.indirect_vreg.gather [hbm4b:s5+s15], $0x80, v3, vm0, $0xb8;
	[tilespmem:$0x14400] =	vst v63  }
0x76: {  	_ = 	snop  }
0x77: {  	[tilespmem:s23], [sflag:$0x4] =	stream.indirect_vreg.gather [hbm4b:s10+s15], $0x80, v3, vm0, $0xb8;
	[tilespmem:$0x14400] =	vst v63  }
0x78: {  	_ = 	snop  }
0x79: {  	[tilespmem:s24], [sflag:$0x4] =	stream.indirect_vreg.gather [hbm4b:s11+s15], $0x80, v3, vm0, $0xb8;
	[tilespmem:$0x14400] =	vst v63  }
0x7a: {  	_ = 	snop  }
0x7b: {  	[tilespmem:s25], [sflag:$0x4] =	stream.indirect_vreg.gather [hbm4b:s12+s15], $0x80, v3, vm0, $0xb8;
	[tilespmem:$0x14400] =	vst v63  }
0x7c: {  	_ =	swait.ge [sflag:s26], $0x4000  }
0x7d: {  	[sflag:s26] =	ssyncset.done $0x0  }
0x7e: {  	[sflag:s26] =	ssyncadd.s32 $0xFFFFC000  }
0x7f: {  	_ =	swait.ge [sflag:s28], $0x4000  }
0x80: {  	[sflag:s28] =	ssyncset.done $0x0  }
0x81: {  	[sflag:s28] =	ssyncadd.s32 $0xFFFFC000  }
0x82: {  	_ =	swait.ge [sflag:s29], $0x4000  }
0x83: {  	[sflag:s29] =	ssyncset.done $0x0  }
0x84: {  	s6 =	simm.s32 $0x0;
	s16 =	simm.s32 $0x0;
	[sflag:s29] =	ssyncadd.s32 $0xFFFFC000  }
0x85: {  	s16 =	sand.u32 $0x2000, s16;
	s17 =	sand.u32 $0x1C00, s15;
	_ =	swait.ge [sflag:s30], $0x4000  }
0x86: {  	s6 =	sand.u32 $0x380, s6;
	s16 =	sor.u32 s17, s16;
	[sflag:s30] =	ssyncset.done $0x0  }
0x87: {  	s16 =	sor.u32 s6, s16;
	[sflag:s30] =	ssyncadd.s32 $0xFFFFC000  }
0x88: {  	v3 =	vld [tilespmem:s16+$0x470]  }
0x89: {  	v4 =	vld [tilespmem:s16+$0x4470]  }
0x8a: {  	v5 =	vld [tilespmem:s16+$0x400]  }
0x8b: {  	v6 =	vld [tilespmem:s16+$0x8470]  }
0x8c: {  	v7 =	vld [tilespmem:s16+$0x4400]  }
0x8d: {  	v8 =	vld [tilespmem:s16+$0xC470]  }
0x8e: {  	v9 =	vld [tilespmem:s16+$0x410]  }
0x8f: {  	v10 =	vld [tilespmem:s16+$0x4410]  }
0x90: {  	v11 =	vld [tilespmem:s16+$0x420]  }
0x91: {  	v12 =	vld [tilespmem:s16+$0x4420]  }
0x92: {  	v13 =	vld [tilespmem:s16+$0x430]  }
0x93: {  	v14 =	vld [tilespmem:s16+$0x4430]  }
0x94: {  	v15 =	vld [tilespmem:s16+$0x440]  }
0x95: {  	v16 =	vld [tilespmem:s16+$0x4440]  }
0x96: {  	v17 =	vld [tilespmem:s16+$0x450]  }
0x97: {  	v18 =	vld [tilespmem:s16+$0x4450]  }
0x98: {  	v19 =	vld [tilespmem:s16+$0x460]  }
0x99: {  	v20 =	vld [tilespmem:s16+$0x4460]  }
0x9a: {  	v21 =	vld [tilespmem:s16+$0x8400]  }
0x9b: {  	v22 =	vld [tilespmem:s16+$0x8420];
	v3 =	vadd.f32 v4, v3  }
0x9c: {  	v24 =	vld [tilespmem:s16+$0x8430];
	v23 =	vadd.f32 v7, v5  }
0x9d: {  	v9 =	vadd.f32 v10, v9;
	v3 =	vadd.f32 v6, v3;
	v6 =	vld [tilespmem:s16+$0x8410]  }
0x9e: {  	v25 =	vadd.f32 v12, v11;
	v12 =	vld [tilespmem:s16+$0x8440];
	v26 =	vadd.f32 v14, v13  }
0x9f: {  	v5 =	vadd.f32 v16, v15;
	v11 =	vld [tilespmem:s16+$0x8450];
	v8 =	vadd.f32 v8, v3  }
0xa0: {  	v4 =	vadd.f32 v18, v17;
	v7 =	vld [tilespmem:s16+$0x8460];
	v10 =	vadd.f32 v21, v23  }
0xa1: {  	v13 =	vld [tilespmem:s16+$0xC400];
	v3 =	vadd.f32 v20, v19;
	[tilespmem:s16+$0x10470] =	vst v8;
	v8 =	vadd.f32 v22, v25  }
0xa2: {  	s17 =	simm.s32 $0x0;
	v14 =	vld [tilespmem:s16+$0xC410];
	v9 =	vadd.f32 v6, v9;
	v6 =	vadd.f32 v24, v26  }
.LBB2_3:
0xa3: {  	s17 =	sadd.s32 $0x8, s17;
	v15 =	vld [tilespmem:s16+$0xC420];
	v5 =	vadd.f32 v12, v5  }
0xa4: {  	s15 =	sadd.s32 $0x400, s15;
	s6 =	sshll.u32 s17, $0x4;
	p0 =	slt.u32 s17, $0x3F8;
	v12 =	vld [tilespmem:s16+$0xC430];
	v4 =	vadd.f32 v11, v4  }
0xa5: {  	s7 =	sand.u32 $0x1C00, s15;
	s3 =	sshll.u32 s17, $0x1;
	s6 =	sand.u32 $0x2000, s6;
	v11 =	vld [tilespmem:s16+$0xC440];
	v3 =	vadd.f32 v7, v3  }
0xa6: {  	s3 =	sand.u32 $0x380, s3;
	s6 =	sor.u32 s7, s6;
	v7 =	vadd.f32 v13, v10;
	v10 =	vld [tilespmem:s16+$0xC450]  }
0xa7: {  	s3 =	sor.u32 s3, s6;
	v9 =	vadd.f32 v14, v9;
	v13 =	vld [tilespmem:s16+$0xC460]  }
0xa8: {  	v14 =	vld [tilespmem:s3+$0x470];
	[tilespmem:s16+$0x10400] =	vst v7;
	v7 =	vadd.f32 v15, v8  }
0xa9: {  	v8 =	vld [tilespmem:s3+$0x4470];
	[tilespmem:s16+$0x10410] =	vst v9;
	v6 =	vadd.f32 v12, v6  }
0xaa: {  	v9 =	vld [tilespmem:s3+$0x400];
	[tilespmem:s16+$0x10420] =	vst v7;
	v5 =	vadd.f32 v11, v5  }
0xab: {  	v7 =	vld [tilespmem:s3+$0x8470];
	[tilespmem:s16+$0x10430] =	vst v6;
	v4 =	vadd.f32 v10, v4  }
0xac: {  	v6 =	vld [tilespmem:s3+$0x4400];
	[tilespmem:s16+$0x10440] =	vst v5;
	v3 =	vadd.f32 v13, v3  }
0xad: {  	v5 =	vld [tilespmem:s3+$0xC470];
	[tilespmem:s16+$0x10450] =	vst v4  }
0xae: {  	v4 =	vld [tilespmem:s3+$0x410];
	v8 =	vadd.f32 v8, v14;
	[tilespmem:s16+$0x10460] =	vst v3;
	s16 =	smov.u32 s3  }
0xaf: {  	v3 =	vld [tilespmem:s16+$0x4410]  }
0xb0: {  	v10 =	vld [tilespmem:s16+$0x420];
	v7 =	vadd.f32 v7, v8  }
0xb1: {  	v6 =	vadd.f32 v6, v9;
	v8 =	vld [tilespmem:s16+$0x4420]  }
0xb2: {  	v9 =	vld [tilespmem:s16+$0x430];
	v5 =	vadd.f32 v5, v7  }
0xb3: {  	v7 =	vld [tilespmem:s16+$0x4430]  }
0xb4: {  	v13 =	vadd.f32 v3, v4;
	v3 =	vld [tilespmem:s16+$0x440];
	[tilespmem:s16+$0x10470] =	vst v5  }
0xb5: {  	v4 =	vld [tilespmem:s16+$0x4440]  }
0xb6: {  	v8 =	vadd.f32 v8, v10;
	v10 =	vld [tilespmem:s16+$0x450]  }
0xb7: {  	v11 =	vld [tilespmem:s16+$0x4450]  }
0xb8: {  	v15 =	vadd.f32 v7, v9;
	v7 =	vld [tilespmem:s16+$0x460]  }
0xb9: {  	v9 =	vld [tilespmem:s16+$0x4460]  }
0xba: {  	v14 =	vld [tilespmem:s16+$0x8400];
	v5 =	vadd.f32 v4, v3  }
0xbb: {  	v16 =	vld [tilespmem:s16+$0x8410]  }
0xbc: {  	v17 =	vld [tilespmem:s16+$0x8420];
	v4 =	vadd.f32 v11, v10  }
0xbd: {  	v18 =	vld [tilespmem:s16+$0x8430]  }
.Ltmp0:
0xbe: {  	v12 =	vld [tilespmem:s16+$0x8440];
	v3 =	vadd.f32 v9, v7;
	(pc) =	sbr.rel @p0 .LBB2_3-.Ltmp0, $4  }
0xbf: {  	v10 =	vadd.f32 v14, v6;
	v11 =	vld [tilespmem:s16+$0x8450]  }
0xc0: {  	v9 =	vadd.f32 v16, v13;
	v7 =	vld [tilespmem:s16+$0x8460]  }
0xc1: {  	v13 =	vld [tilespmem:s16+$0xC400];
	v8 =	vadd.f32 v17, v8  }
0xc2: {  	v14 =	vld [tilespmem:s16+$0xC410];
	v6 =	vadd.f32 v18, v15  }
0xc3: {  	v15 =	vld [tilespmem:s16+$0xC420]  }
0xc4: {  	v16 =	vld [tilespmem:s16+$0xC430]  }
0xc5: {  	v17 =	vld [tilespmem:s16+$0xC440]  }
0xc6: {  	v62 =	vld [tilespmem:s16+$0xC450];
	v10 =	vadd.f32 v13, v10  }
0xc7: {  	v63 =	vld [tilespmem:s16+$0xC460];
	v9 =	vadd.f32 v14, v9  }
0xc8: {  	v5 =	vadd.f32 v12, v5;
	[tilespmem:s16+$0x10400] =	vst v10;
	v8 =	vadd.f32 v15, v8  }
0xc9: {  	v4 =	vadd.f32 v11, v4;
	v6 =	vadd.f32 v16, v6;
	[tilespmem:s16+$0x10410] =	vst v9  }
0xca: {  	v3 =	vadd.f32 v7, v3;
	v5 =	vadd.f32 v17, v5;
	[tilespmem:s16+$0x10420] =	vst v8  }
0xcb: {  	v4 =	vadd.f32 v62, v4;
	[tilespmem:s16+$0x10430] =	vst v6  }
0xcc: {  	s1 =	sadd.s32 s4, s1;
	s0 =	sadd.s32 $0x1, s0;
	v3 =	vadd.f32 v63, v3;
	[tilespmem:s16+$0x10440] =	vst v5  }
0xcd: {  	s3 =	rddreg [dreg:$0x1];
	s1 =	sshll.u32 s1, $0x7;
	p0 =	sne.s32 s0, $0x10;
	[tilespmem:s16+$0x10450] =	vst v4  }
.Ltmp1:
0xce: {  	s1 =	sadd.s32 s3, s1;
	[tilespmem:s16+$0x10460] =	vst v3;
	(pc) =	sbr.rel @p0 .LBB2_2-.Ltmp1, $4  }
0xcf: {  	[hbm4b:s1+s8] =	stream.linear.scatter [tilespmem:s31], [sflag:$0x5], $0x4000, $0x38;
	[tilespmem:$0x14400] =	vst v63  }
0xd0: {  	_ =	swait.ge [sflag:s14], $0x4000  }
0xd1: {  	[sflag:s14] =	ssyncset.done $0x0  }
0xd2: {  	[sflag:s14] =	ssyncadd.s32 $0xFFFFC000  }
0xd3: {  	s1 =	rddreg [dreg:$0x8]  }
0xd4: {  	s0 =	rddreg [dreg:$0x7];
	s1 =	sadd.s32 $0x1, s1  }
0xd5: {  	p0 =	sne.s32 s1, s0  }
.Ltmp2:
0xd6: {  	_ = 	snop;
	(pc) =	sbr.rel @p0 .LBB2_1-.Ltmp2, $1  }
0xd7: {  	_ =	sdelay $0x3  }
0xd8: {  	_ =	sfence.sel $0x180000  }
0xd9: {  	[bflag:$0x0] =	sbarrier.arrive $0xFFFF  }
0xda: {  	_ =	strace $0x9000004A  }
0xdb: {  	s0 =	stileid.u32;
	[bflag:$0x2] =	sbarrier.arrive $0xFFFF  }
0xdc: {  	p0 =	sne.s32 s0, $0x0;
	s0 =	rddreg [dreg:$0x2]  }
0xdd: {  	s0 =	sadd.s32 @!p0 $0x100000, s0  }
0xde: {  	[sflag:s0] =	ssyncadd.tile.s32 @!p0 $0x1;
	_ =	shalt  }
.Lfunc_end2:
_tile_overlayer_lowered:
.L_overlay_start_2:
0xdf: {  	(tag) =	ssettag $0x2  }
0xe0: {  	s0 =	rddreg [dreg:$0x0];
	s2 =	stileid.u32  }
0xe1: {  	s1 =	rddreg [dreg:$0x1];
	p0 =	sne.s32 s2, $0x0  }
0xe2: {  	s3 =	rddreg [dreg:$0x2];
	[bflag:$0x3] =	sbarrier.arrive $0xFFFF;
	s2 =	simm.s32 @!p0 $0x1C05  }
0xe3: {  	[timem:s3], [sflag:s2] =	dma.local @!p0 [hbm:s0], s1  }
0xe4: {  	s0 =	simm.s32 @!p0 $0x5  }
0xe5: {  	_ =	swait.ge @!p0 [sflag:s0], s1  }
0xe6: {  	s1 =	ssub.s32 @!p0 $0x0, s1;
	[sflag:s0] =	ssyncset.done @!p0 $0x0  }
0xe7: {  	[sflag:s0] =	ssyncadd.s32 @!p0 s1  }
0xe8: {  	[bflag:$0x3] =	sbarrier.arrive $0xFFFF  }
0xe9: {  	_ =	shalt  }

</sc_bundles>
